<compile_context>
chip_gen: v7x
topology: tpu7x:2x2x1
jax: 0.10.2.dev20260603
libtpu: 0.0.44.dev20260713+nightly
codegen_flags: <defaults>
</compile_context>

<pallas_src>
import functools

import jax
import jax.numpy as jnp
from jax import lax
from jax.experimental import pallas as pl
from jax.experimental.pallas import tpu as pltpu
from jax.experimental.pallas import tpu_sc as plsc

N = 1_000_000
D = 64
B = 16
L = 16
NW = 32

C = 512
M = N // C
TAIL = N - M * C
TRIPS = -(-M // NW)


def _run(in_hbm, glob_hbm, ids_hbm, out_hbm, ids_v, buf_v, glob_v):
    c = lax.axis_index("c")
    s = lax.axis_index("s")
    wid = s * 2 + c

    pltpu.sync_copy(glob_hbm, glob_v)

    def process(base, rows):
        pltpu.sync_copy(ids_hbm.at[pl.ds(base, rows)], ids_v.at[pl.ds(0, rows)])
        pltpu.sync_copy(in_hbm.at[pl.ds(base, rows), :], buf_v.at[pl.ds(0, rows), :])
        first = ids_v[pl.ds(0, L)][0]
        last = ids_v[pl.ds(rows - L, L)][L - 1]

        @pl.when(first == last)
        def _fast():
            g = [glob_v[first, pl.ds(j * L, L)] for j in range(D // L)]

            def row(i, carry):
                for j in range(D // L):
                    plsc.addupdate(buf_v.at[i, pl.ds(j * L, L)], g[j])
                return carry

            lax.fori_loop(0, rows, row, 0)

        @pl.when(first != last)
        def _mixed():
            def grp(i0, carry):
                idvec = ids_v[pl.ds(i0, L)]
                for l in range(L):
                    b = idvec[l]
                    for j in range(D // L):
                        plsc.addupdate(
                            buf_v.at[i0 + l, pl.ds(j * L, L)],
                            glob_v[b, pl.ds(j * L, L)],
                        )
                return carry

            lax.fori_loop(0, rows // L, lambda t, c: grp(t * L, c), 0)

        pltpu.sync_copy(buf_v.at[pl.ds(0, rows), :], out_hbm.at[pl.ds(base, rows), :])

    def trip(t, carry):
        k = wid + t * NW

        @pl.when(k < M)
        def _():
            process(k * C, C)

        return carry

    lax.fori_loop(0, TRIPS, trip, 0)

    if TAIL:
        @pl.when(wid == NW - 1)
        def _tail():
            process(M * C, TAIL)


def kernel(input_features, input_features_global, batch_ids):
    ids = batch_ids.astype(jnp.int32)
    mesh = plsc.VectorSubcoreMesh(core_axis_name="c", subcore_axis_name="s")
    run = functools.partial(
        pl.kernel,
        mesh=mesh,
        out_type=jax.ShapeDtypeStruct((N, D), jnp.float32),
        scratch_types=[
            pltpu.VMEM((C,), jnp.int32),
            pltpu.VMEM((C, D), jnp.float32),
            pltpu.VMEM((B, D), jnp.float32),
        ],
    )(_run)
    return run(input_features, input_features_global, ids)

# --- scband reference (transcript-rebuilt; emitter-appended) ---
"""Pipeline reference for scband-abstract-minkowski-broadcast-83794811945195 (READ-ONLY COPY).

The authoritative reference and input builder live on the scoring server;
editing this copy changes nothing except your own understanding.
"""

import jax, jax.numpy as jnp
import numpy as np

N = 1000000
D = 64
B = 16

def setup_inputs(seed: int = 0) -> dict:
    key = jax.random.key(seed)
    k1, k2, k3 = jax.random.split(key, 3)
    input_features = jax.random.normal(k1, (N, D), dtype=jnp.float32)
    input_features_global = jax.random.normal(k2, (B, D), dtype=jnp.float32)
    batch_ids = jnp.sort(jax.random.randint(k3, (N,), 0, B, dtype=jnp.int64))
    return {
        "input_features": input_features,
        "input_features_global": input_features_global,
        "batch_ids": batch_ids,
    }

def reference(input_features, input_features_global, batch_ids):
    # MinkowskiBroadcast with OperationType.ADDITION:
    # gather the per-batch global feature row for each point and add it
    # to the point's feature. This is exactly what BroadcastForward does
    # using the coords-manager's point->batch mapping.
    assert input_features.shape[1] == input_features_global.shape[1]
    gathered = jnp.take(input_features_global, batch_ids, axis=0)  # [N, D]
    out_feat = input_features + gathered
    return out_feat

if __name__ == "__main__":
    import jax
    _d = setup_inputs()
    print(jax.jit(kernel)(*tuple(_d.values())))

</pallas_src>

<mosaic_0001>
#map = affine_map<(d0, d1) -> (0, 0)>
#map1 = affine_map<(d0, d1) -> (0)>
module attributes {stable_mosaic.version = 14 : i64} {
  func.func @_run(%arg0: i32, %arg1: i32, %arg2: memref<1000000x64xf32, #tpu.memory_space<hbm>>, %arg3: memref<16x64xf32, #tpu.memory_space<hbm>>, %arg4: memref<1000000xi32, #tpu.memory_space<hbm>>, %arg5: memref<1000000x64xf32, #tpu.memory_space<hbm>>, %arg6: memref<512xi32, #tpu.memory_space<vmem>>, %arg7: memref<512x64xf32, #tpu.memory_space<vmem>>, %arg8: memref<16x64xf32, #tpu.memory_space<vmem>>) attributes {dimension_semantics = [#tpu.dimension_semantics<core_parallel>, #tpu.dimension_semantics<subcore_parallel>], iteration_bounds = array<i64: 2, 16>, scalar_prefetch = 0 : i64, scratch_operands = 3 : i64, tpu.core_type = #tpu.core_type<sc_vector_subcore>, window_params = [{transform_indices = #map}, {transform_indices = #map}, {transform_indices = #map1}, {transform_indices = #map}]} {
    %mul3A = arith.constant 2 : i32
    %mul3A_0 = arith.muli %arg1, %mul3A : i32
    %add3A = arith.addi %mul3A_0, %arg0 : i32
    "tpu.region"() ({
      %run_scoped3A = tpu.sem_alloc : memref<!tpu.dma_semaphore, #tpu.memory_space<semaphore_mem>>
      tpu.enqueue_dma source(%arg3 : memref<16x64xf32, #tpu.memory_space<hbm>>) target(%arg8 : memref<16x64xf32, #tpu.memory_space<vmem>>) target_semaphore(%run_scoped3A : memref<!tpu.dma_semaphore, #tpu.memory_space<semaphore_mem>>)
      tpu.wait_dma2 semaphore(%run_scoped3A : memref<!tpu.dma_semaphore, #tpu.memory_space<semaphore_mem>>) src(%arg3 : memref<16x64xf32, #tpu.memory_space<hbm>>) dst(%arg8 : memref<16x64xf32, #tpu.memory_space<vmem>>)
      tpu.yield
    }) : () -> ()
    %scan3A = arith.constant 0 : i32
    %scan3A_1 = arith.constant 0 : i32
    %scan3A_2 = arith.constant 62 : i32
    %scan3A_3 = arith.addi %scan3A_1, %scan3A_2 : i32
    %scan3A_4 = arith.constant 1 : i32
    scf.for %scan3A_8 = %scan3A_1 to %scan3A_3 step %scan3A_4  : i32 {
      %mul3A_9 = arith.constant 32 : i32
      %mul3A_10 = arith.muli %scan3A_8, %mul3A_9 : i32
      %add3A_11 = arith.addi %add3A, %mul3A_10 : i32
      %lt3A = arith.constant 1953 : i32
      %lt3A_12 = arith.cmpi slt, %add3A_11, %lt3A : i32
      %convert_element_type3A_13 = arith.extui %lt3A_12 : i1 to i32
      %cond3A_14 = arith.constant 0 : i32
      %cond3A_15 = arith.cmpi ne, %convert_element_type3A_13, %cond3A_14 : i32
      scf.if %cond3A_15 {
        %mul3A_16 = arith.constant 512 : i32
        %mul3A_17 = arith.muli %add3A_11, %mul3A_16 : i32
        "tpu.region"() ({
          %run_scoped3A = tpu.sem_alloc : memref<!tpu.dma_semaphore, #tpu.memory_space<semaphore_mem>>
          %dma_start3A = arith.constant 0 : i32
          %dma_start3A_32 = tpu.memref_slice %arg6[%dma_start3A] : memref<512xi32, #tpu.memory_space<vmem>> -> memref<512xi32, #tpu.memory_space<vmem>>
          %dma_start3A_33 = tpu.memref_slice %arg4[%mul3A_17] : memref<1000000xi32, #tpu.memory_space<hbm>> -> memref<512xi32, #tpu.memory_space<hbm>>
          %dma_start3A_34 = arith.constant 0 : i32
          %dma_start3A_35 = tpu.memref_slice %arg6[%dma_start3A_34] : memref<512xi32, #tpu.memory_space<vmem>> -> memref<512xi32, #tpu.memory_space<vmem>>
          %dma_start3A_36 = tpu.memref_slice %arg4[%mul3A_17] : memref<1000000xi32, #tpu.memory_space<hbm>> -> memref<512xi32, #tpu.memory_space<hbm>>
          tpu.enqueue_dma source(%dma_start3A_36 : memref<512xi32, #tpu.memory_space<hbm>>) target(%dma_start3A_35 : memref<512xi32, #tpu.memory_space<vmem>>) target_semaphore(%run_scoped3A : memref<!tpu.dma_semaphore, #tpu.memory_space<semaphore_mem>>)
          %dma_wait3A = arith.constant 0 : i32
          %dma_wait3A_37 = tpu.memref_slice %arg6[%dma_wait3A] : memref<512xi32, #tpu.memory_space<vmem>> -> memref<512xi32, #tpu.memory_space<vmem>>
          %dma_wait3A_38 = tpu.memref_slice %arg4[%mul3A_17] : memref<1000000xi32, #tpu.memory_space<hbm>> -> memref<512xi32, #tpu.memory_space<hbm>>
          %dma_wait3A_39 = arith.constant 0 : i32
          %dma_wait3A_40 = tpu.memref_slice %arg6[%dma_wait3A_39] : memref<512xi32, #tpu.memory_space<vmem>> -> memref<512xi32, #tpu.memory_space<vmem>>
          %dma_wait3A_41 = tpu.memref_slice %arg4[%mul3A_17] : memref<1000000xi32, #tpu.memory_space<hbm>> -> memref<512xi32, #tpu.memory_space<hbm>>
          tpu.wait_dma2 semaphore(%run_scoped3A : memref<!tpu.dma_semaphore, #tpu.memory_space<semaphore_mem>>) src(%dma_wait3A_41 : memref<512xi32, #tpu.memory_space<hbm>>) dst(%dma_wait3A_40 : memref<512xi32, #tpu.memory_space<vmem>>)
          tpu.yield
        }) : () -> ()
        "tpu.region"() ({
          %run_scoped3A = tpu.sem_alloc : memref<!tpu.dma_semaphore, #tpu.memory_space<semaphore_mem>>
          %dma_start3A = arith.constant 0 : i32
          %dma_start3A_32 = arith.constant 0 : i32
          %dma_start3A_33 = tpu.memref_slice %arg7[%dma_start3A, %dma_start3A_32] : memref<512x64xf32, #tpu.memory_space<vmem>> -> memref<512x64xf32, #tpu.memory_space<vmem>>
          %dma_start3A_34 = arith.constant 0 : i32
          %dma_start3A_35 = tpu.memref_slice %arg2[%mul3A_17, %dma_start3A_34] : memref<1000000x64xf32, #tpu.memory_space<hbm>> -> memref<512x64xf32, #tpu.memory_space<hbm>>
          %dma_start3A_36 = arith.constant 0 : i32
          %dma_start3A_37 = arith.constant 0 : i32
          %dma_start3A_38 = tpu.memref_slice %arg7[%dma_start3A_36, %dma_start3A_37] : memref<512x64xf32, #tpu.memory_space<vmem>> -> memref<512x64xf32, #tpu.memory_space<vmem>>
          %dma_start3A_39 = arith.constant 0 : i32
          %dma_start3A_40 = tpu.memref_slice %arg2[%mul3A_17, %dma_start3A_39] : memref<1000000x64xf32, #tpu.memory_space<hbm>> -> memref<512x64xf32, #tpu.memory_space<hbm>>
          tpu.enqueue_dma source(%dma_start3A_40 : memref<512x64xf32, #tpu.memory_space<hbm>>) target(%dma_start3A_38 : memref<512x64xf32, #tpu.memory_space<vmem>>) target_semaphore(%run_scoped3A : memref<!tpu.dma_semaphore, #tpu.memory_space<semaphore_mem>>)
          %dma_wait3A = arith.constant 0 : i32
          %dma_wait3A_41 = arith.constant 0 : i32
          %dma_wait3A_42 = tpu.memref_slice %arg7[%dma_wait3A, %dma_wait3A_41] : memref<512x64xf32, #tpu.memory_space<vmem>> -> memref<512x64xf32, #tpu.memory_space<vmem>>
          %dma_wait3A_43 = arith.constant 0 : i32
          %dma_wait3A_44 = tpu.memref_slice %arg2[%mul3A_17, %dma_wait3A_43] : memref<1000000x64xf32, #tpu.memory_space<hbm>> -> memref<512x64xf32, #tpu.memory_space<hbm>>
          %dma_wait3A_45 = arith.constant 0 : i32
          %dma_wait3A_46 = arith.constant 0 : i32
          %dma_wait3A_47 = tpu.memref_slice %arg7[%dma_wait3A_45, %dma_wait3A_46] : memref<512x64xf32, #tpu.memory_space<vmem>> -> memref<512x64xf32, #tpu.memory_space<vmem>>
          %dma_wait3A_48 = arith.constant 0 : i32
          %dma_wait3A_49 = tpu.memref_slice %arg2[%mul3A_17, %dma_wait3A_48] : memref<1000000x64xf32, #tpu.memory_space<hbm>> -> memref<512x64xf32, #tpu.memory_space<hbm>>
          tpu.wait_dma2 semaphore(%run_scoped3A : memref<!tpu.dma_semaphore, #tpu.memory_space<semaphore_mem>>) src(%dma_wait3A_49 : memref<512x64xf32, #tpu.memory_space<hbm>>) dst(%dma_wait3A_47 : memref<512x64xf32, #tpu.memory_space<vmem>>)
          tpu.yield
        }) : () -> ()
        %get3A = arith.constant 0 : index
        %get3A_18 = tpu.vector_load %arg6[%get3A] {strides = array<i32>} : memref<512xi32, #tpu.memory_space<vmem>>, vector<16xi32>,
        %get3A_19 = vector.shape_cast %get3A_18 : vector<16xi32> to vector<16xi32>
        %slice3A = vector.extract_strided_slice %get3A_19 {offsets = [0], sizes = [1], strides = [1]} : vector<16xi32> to vector<1xi32>
        %squeeze3A = vector.extract %slice3A[0] : i32 from vector<1xi32>
        %get3A_20 = arith.constant 496 : index
        %get3A_21 = tpu.vector_load %arg6[%get3A_20] {strides = array<i32>} : memref<512xi32, #tpu.memory_space<vmem>>, vector<16xi32>,
        %get3A_22 = vector.shape_cast %get3A_21 : vector<16xi32> to vector<16xi32>
        %slice3A_23 = vector.extract_strided_slice %get3A_22 {offsets = [15], sizes = [1], strides = [1]} : vector<16xi32> to vector<1xi32>
        %squeeze3A_24 = vector.extract %slice3A_23[0] : i32 from vector<1xi32>
        %eq3A_25 = arith.cmpi eq, %squeeze3A, %squeeze3A_24 : i32
        %convert_element_type3A_26 = arith.extui %eq3A_25 : i1 to i32
        %cond3A_27 = arith.constant 0 : i32
        %cond3A_28 = arith.cmpi ne, %convert_element_type3A_26, %cond3A_27 : i32
        scf.if %cond3A_28 {
          %get3A_32 = arith.index_cast %squeeze3A : i32 to index
          %get3A_33 = arith.constant 0 : index
          %get3A_34 = tpu.vector_load %arg8[%get3A_32, %get3A_33] {strides = array<i32>} : memref<16x64xf32, #tpu.memory_space<vmem>>, vector<1x16xf32>,
          %get3A_35 = vector.shape_cast %get3A_34 : vector<1x16xf32> to vector<16xf32>
          %get3A_36 = arith.index_cast %squeeze3A : i32 to index
          %get3A_37 = arith.constant 16 : index
          %get3A_38 = tpu.vector_load %arg8[%get3A_36, %get3A_37] {strides = array<i32>} : memref<16x64xf32, #tpu.memory_space<vmem>>, vector<1x16xf32>,
          %get3A_39 = vector.shape_cast %get3A_38 : vector<1x16xf32> to vector<16xf32>
          %get3A_40 = arith.index_cast %squeeze3A : i32 to index
          %get3A_41 = arith.constant 32 : index
          %get3A_42 = tpu.vector_load %arg8[%get3A_40, %get3A_41] {strides = array<i32>} : memref<16x64xf32, #tpu.memory_space<vmem>>, vector<1x16xf32>,
          %get3A_43 = vector.shape_cast %get3A_42 : vector<1x16xf32> to vector<16xf32>
          %get3A_44 = arith.index_cast %squeeze3A : i32 to index
          %get3A_45 = arith.constant 48 : index
          %get3A_46 = tpu.vector_load %arg8[%get3A_44, %get3A_45] {strides = array<i32>} : memref<16x64xf32, #tpu.memory_space<vmem>>, vector<1x16xf32>,
          %get3A_47 = vector.shape_cast %get3A_46 : vector<1x16xf32> to vector<16xf32>
          %scan3A_48 = arith.constant 0 : i32
          %scan3A_49 = arith.constant 0 : i32
          %scan3A_50 = arith.constant 512 : i32
          %scan3A_51 = arith.addi %scan3A_49, %scan3A_50 : i32
          %scan3A_52 = arith.constant 1 : i32
          scf.for %scan3A_54 = %scan3A_49 to %scan3A_51 step %scan3A_52  : i32 {
            %swap3A = arith.index_cast %scan3A_54 : i32 to index
            %swap3A_55 = arith.constant 0 : index
            %swap3A_56 = tpu.vector_load %arg7[%swap3A, %swap3A_55] {strides = array<i32>} : memref<512x64xf32, #tpu.memory_space<vmem>>, vector<1x16xf32>,
            %swap3A_57 = vector.shape_cast %swap3A_56 : vector<1x16xf32> to vector<16xf32>
            %swap3A_58 = vector.shape_cast %get3A_35 : vector<16xf32> to vector<1x16xf32>
            tpu.vector_store %arg7[%swap3A, %swap3A_55], %swap3A_58 {add = true, strides = array<i32>} : memref<512x64xf32, #tpu.memory_space<vmem>>, vector<1x16xf32>,
            %swap3A_59 = arith.index_cast %scan3A_54 : i32 to index
            %swap3A_60 = arith.constant 16 : index
            %swap3A_61 = tpu.vector_load %arg7[%swap3A_59, %swap3A_60] {strides = array<i32>} : memref<512x64xf32, #tpu.memory_space<vmem>>, vector<1x16xf32>,
            %swap3A_62 = vector.shape_cast %swap3A_61 : vector<1x16xf32> to vector<16xf32>
            %swap3A_63 = vector.shape_cast %get3A_39 : vector<16xf32> to vector<1x16xf32>
            tpu.vector_store %arg7[%swap3A_59, %swap3A_60], %swap3A_63 {add = true, strides = array<i32>} : memref<512x64xf32, #tpu.memory_space<vmem>>, vector<1x16xf32>,
            %swap3A_64 = arith.index_cast %scan3A_54 : i32 to index
            %swap3A_65 = arith.constant 32 : index
            %swap3A_66 = tpu.vector_load %arg7[%swap3A_64, %swap3A_65] {strides = array<i32>} : memref<512x64xf32, #tpu.memory_space<vmem>>, vector<1x16xf32>,
            %swap3A_67 = vector.shape_cast %swap3A_66 : vector<1x16xf32> to vector<16xf32>
            %swap3A_68 = vector.shape_cast %get3A_43 : vector<16xf32> to vector<1x16xf32>
            tpu.vector_store %arg7[%swap3A_64, %swap3A_65], %swap3A_68 {add = true, strides = array<i32>} : memref<512x64xf32, #tpu.memory_space<vmem>>, vector<1x16xf32>,
            %swap3A_69 = arith.index_cast %scan3A_54 : i32 to index
            %swap3A_70 = arith.constant 48 : index
            %swap3A_71 = tpu.vector_load %arg7[%swap3A_69, %swap3A_70] {strides = array<i32>} : memref<512x64xf32, #tpu.memory_space<vmem>>, vector<1x16xf32>,
            %swap3A_72 = vector.shape_cast %swap3A_71 : vector<1x16xf32> to vector<16xf32>
            %swap3A_73 = vector.shape_cast %get3A_47 : vector<16xf32> to vector<1x16xf32>
            tpu.vector_store %arg7[%swap3A_69, %swap3A_70], %swap3A_73 {add = true, strides = array<i32>} : memref<512x64xf32, #tpu.memory_space<vmem>>, vector<1x16xf32>,
          }
          %scan3A_53 = arith.constant 512 : i32
        } else {
        }
        %ne3A = arith.cmpi ne, %squeeze3A, %squeeze3A_24 : i32
        %convert_element_type3A_29 = arith.extui %ne3A : i1 to i32
        %cond3A_30 = arith.constant 0 : i32
        %cond3A_31 = arith.cmpi ne, %convert_element_type3A_29, %cond3A_30 : i32
        scf.if %cond3A_31 {
          %scan3A_32 = arith.constant 0 : i32
          %scan3A_33 = arith.constant 0 : i32
          %scan3A_34 = arith.constant 32 : i32
          %scan3A_35 = arith.addi %scan3A_33, %scan3A_34 : i32
          %scan3A_36 = arith.constant 1 : i32
          scf.for %scan3A_38 = %scan3A_33 to %scan3A_35 step %scan3A_36  : i32 {
            %mul3A_39 = arith.constant 16 : i32
            %mul3A_40 = arith.muli %scan3A_38, %mul3A_39 : i32
            %get3A_41 = arith.index_cast %mul3A_40 : i32 to index
            %get3A_42 = tpu.vector_load %arg6[%get3A_41] {strides = array<i32>} : memref<512xi32, #tpu.memory_space<vmem>>, vector<16xi32>,
            %get3A_43 = vector.shape_cast %get3A_42 : vector<16xi32> to vector<16xi32>
            %slice3A_44 = vector.extract_strided_slice %get3A_43 {offsets = [0], sizes = [1], strides = [1]} : vector<16xi32> to vector<1xi32>
            %squeeze3A_45 = vector.extract %slice3A_44[0] : i32 from vector<1xi32>
            %add3A_46 = arith.constant 0 : i32
            %add3A_47 = arith.addi %mul3A_40, %add3A_46 : i32
            %get3A_48 = arith.index_cast %squeeze3A_45 : i32 to index
            %get3A_49 = arith.constant 0 : index
            %get3A_50 = tpu.vector_load %arg8[%get3A_48, %get3A_49] {strides = array<i32>} : memref<16x64xf32, #tpu.memory_space<vmem>>, vector<1x16xf32>,
            %get3A_51 = vector.shape_cast %get3A_50 : vector<1x16xf32> to vector<16xf32>
            %swap3A = arith.index_cast %add3A_47 : i32 to index
            %swap3A_52 = arith.constant 0 : index
            %swap3A_53 = tpu.vector_load %arg7[%swap3A, %swap3A_52] {strides = array<i32>} : memref<512x64xf32, #tpu.memory_space<vmem>>, vector<1x16xf32>,
            %swap3A_54 = vector.shape_cast %swap3A_53 : vector<1x16xf32> to vector<16xf32>
            %swap3A_55 = vector.shape_cast %get3A_51 : vector<16xf32> to vector<1x16xf32>
            tpu.vector_store %arg7[%swap3A, %swap3A_52], %swap3A_55 {add = true, strides = array<i32>} : memref<512x64xf32, #tpu.memory_space<vmem>>, vector<1x16xf32>,
            %add3A_56 = arith.constant 0 : i32
            %add3A_57 = arith.addi %mul3A_40, %add3A_56 : i32
            %get3A_58 = arith.index_cast %squeeze3A_45 : i32 to index
            %get3A_59 = arith.constant 16 : index
            %get3A_60 = tpu.vector_load %arg8[%get3A_58, %get3A_59] {strides = array<i32>} : memref<16x64xf32, #tpu.memory_space<vmem>>, vector<1x16xf32>,
            %get3A_61 = vector.shape_cast %get3A_60 : vector<1x16xf32> to vector<16xf32>
            %swap3A_62 = arith.index_cast %add3A_57 : i32 to index
            %swap3A_63 = arith.constant 16 : index
            %swap3A_64 = tpu.vector_load %arg7[%swap3A_62, %swap3A_63] {strides = array<i32>} : memref<512x64xf32, #tpu.memory_space<vmem>>, vector<1x16xf32>,
            %swap3A_65 = vector.shape_cast %swap3A_64 : vector<1x16xf32> to vector<16xf32>
            %swap3A_66 = vector.shape_cast %get3A_61 : vector<16xf32> to vector<1x16xf32>
            tpu.vector_store %arg7[%swap3A_62, %swap3A_63], %swap3A_66 {add = true, strides = array<i32>} : memref<512x64xf32, #tpu.memory_space<vmem>>, vector<1x16xf32>,
            %add3A_67 = arith.constant 0 : i32
            %add3A_68 = arith.addi %mul3A_40, %add3A_67 : i32
            %get3A_69 = arith.index_cast %squeeze3A_45 : i32 to index
            %get3A_70 = arith.constant 32 : index
            %get3A_71 = tpu.vector_load %arg8[%get3A_69, %get3A_70] {strides = array<i32>} : memref<16x64xf32, #tpu.memory_space<vmem>>, vector<1x16xf32>,
            %get3A_72 = vector.shape_cast %get3A_71 : vector<1x16xf32> to vector<16xf32>
            %swap3A_73 = arith.index_cast %add3A_68 : i32 to index
            %swap3A_74 = arith.constant 32 : index
            %swap3A_75 = tpu.vector_load %arg7[%swap3A_73, %swap3A_74] {strides = array<i32>} : memref<512x64xf32, #tpu.memory_space<vmem>>, vector<1x16xf32>,
            %swap3A_76 = vector.shape_cast %swap3A_75 : vector<1x16xf32> to vector<16xf32>
            %swap3A_77 = vector.shape_cast %get3A_72 : vector<16xf32> to vector<1x16xf32>
            tpu.vector_store %arg7[%swap3A_73, %swap3A_74], %swap3A_77 {add = true, strides = array<i32>} : memref<512x64xf32, #tpu.memory_space<vmem>>, vector<1x16xf32>,
            %add3A_78 = arith.constant 0 : i32
            %add3A_79 = arith.addi %mul3A_40, %add3A_78 : i32
            %get3A_80 = arith.index_cast %squeeze3A_45 : i32 to index
            %get3A_81 = arith.constant 48 : index
            %get3A_82 = tpu.vector_load %arg8[%get3A_80, %get3A_81] {strides = array<i32>} : memref<16x64xf32, #tpu.memory_space<vmem>>, vector<1x16xf32>,
            %get3A_83 = vector.shape_cast %get3A_82 : vector<1x16xf32> to vector<16xf32>
            %swap3A_84 = arith.index_cast %add3A_79 : i32 to index
            %swap3A_85 = arith.constant 48 : index
            %swap3A_86 = tpu.vector_load %arg7[%swap3A_84, %swap3A_85] {strides = array<i32>} : memref<512x64xf32, #tpu.memory_space<vmem>>, vector<1x16xf32>,
            %swap3A_87 = vector.shape_cast %swap3A_86 : vector<1x16xf32> to vector<16xf32>
            %swap3A_88 = vector.shape_cast %get3A_83 : vector<16xf32> to vector<1x16xf32>
            tpu.vector_store %arg7[%swap3A_84, %swap3A_85], %swap3A_88 {add = true, strides = array<i32>} : memref<512x64xf32, #tpu.memory_space<vmem>>, vector<1x16xf32>,
            %slice3A_89 = vector.extract_strided_slice %get3A_43 {offsets = [1], sizes = [1], strides = [1]} : vector<16xi32> to vector<1xi32>
            %squeeze3A_90 = vector.extract %slice3A_89[0] : i32 from vector<1xi32>
            %add3A_91 = arith.constant 1 : i32
            %add3A_92 = arith.addi %mul3A_40, %add3A_91 : i32
            %get3A_93 = arith.index_cast %squeeze3A_90 : i32 to index
            %get3A_94 = arith.constant 0 : index
            %get3A_95 = tpu.vector_load %arg8[%get3A_93, %get3A_94] {strides = array<i32>} : memref<16x64xf32, #tpu.memory_space<vmem>>, vector<1x16xf32>,
            %get3A_96 = vector.shape_cast %get3A_95 : vector<1x16xf32> to vector<16xf32>
            %swap3A_97 = arith.index_cast %add3A_92 : i32 to index
            %swap3A_98 = arith.constant 0 : index
            %swap3A_99 = tpu.vector_load %arg7[%swap3A_97, %swap3A_98] {strides = array<i32>} : memref<512x64xf32, #tpu.memory_space<vmem>>, vector<1x16xf32>,
            %swap3A_100 = vector.shape_cast %swap3A_99 : vector<1x16xf32> to vector<16xf32>
            %swap3A_101 = vector.shape_cast %get3A_96 : vector<16xf32> to vector<1x16xf32>
            tpu.vector_store %arg7[%swap3A_97, %swap3A_98], %swap3A_101 {add = true, strides = array<i32>} : memref<512x64xf32, #tpu.memory_space<vmem>>, vector<1x16xf32>,
            %add3A_102 = arith.constant 1 : i32
            %add3A_103 = arith.addi %mul3A_40, %add3A_102 : i32
            %get3A_104 = arith.index_cast %squeeze3A_90 : i32 to index
            %get3A_105 = arith.constant 16 : index
            %get3A_106 = tpu.vector_load %arg8[%get3A_104, %get3A_105] {strides = array<i32>} : memref<16x64xf32, #tpu.memory_space<vmem>>, vector<1x16xf32>,
            %get3A_107 = vector.shape_cast %get3A_106 : vector<1x16xf32> to vector<16xf32>
            %swap3A_108 = arith.index_cast %add3A_103 : i32 to index
            %swap3A_109 = arith.constant 16 : index
            %swap3A_110 = tpu.vector_load %arg7[%swap3A_108, %swap3A_109] {strides = array<i32>} : memref<512x64xf32, #tpu.memory_space<vmem>>, vector<1x16xf32>,
            %swap3A_111 = vector.shape_cast %swap3A_110 : vector<1x16xf32> to vector<16xf32>
            %swap3A_112 = vector.shape_cast %get3A_107 : vector<16xf32> to vector<1x16xf32>
            tpu.vector_store %arg7[%swap3A_108, %swap3A_109], %swap3A_112 {add = true, strides = array<i32>} : memref<512x64xf32, #tpu.memory_space<vmem>>, vector<1x16xf32>,
            %add3A_113 = arith.constant 1 : i32
            %add3A_114 = arith.addi %mul3A_40, %add3A_113 : i32
            %get3A_115 = arith.index_cast %squeeze3A_90 : i32 to index
            %get3A_116 = arith.constant 32 : index
            %get3A_117 = tpu.vector_load %arg8[%get3A_115, %get3A_116] {strides = array<i32>} : memref<16x64xf32, #tpu.memory_space<vmem>>, vector<1x16xf32>,
            %get3A_118 = vector.shape_cast %get3A_117 : vector<1x16xf32> to vector<16xf32>
            %swap3A_119 = arith.index_cast %add3A_114 : i32 to index
            %swap3A_120 = arith.constant 32 : index
            %swap3A_121 = tpu.vector_load %arg7[%swap3A_119, %swap3A_120] {strides = array<i32>} : memref<512x64xf32, #tpu.memory_space<vmem>>, vector<1x16xf32>,
            %swap3A_122 = vector.shape_cast %swap3A_121 : vector<1x16xf32> to vector<16xf32>
            %swap3A_123 = vector.shape_cast %get3A_118 : vector<16xf32> to vector<1x16xf32>
            tpu.vector_store %arg7[%swap3A_119, %swap3A_120], %swap3A_123 {add = true, strides = array<i32>} : memref<512x64xf32, #tpu.memory_space<vmem>>, vector<1x16xf32>,
            %add3A_124 = arith.constant 1 : i32
            %add3A_125 = arith.addi %mul3A_40, %add3A_124 : i32
            %get3A_126 = arith.index_cast %squeeze3A_90 : i32 to index
            %get3A_127 = arith.constant 48 : index
            %get3A_128 = tpu.vector_load %arg8[%get3A_126, %get3A_127] {strides = array<i32>} : memref<16x64xf32, #tpu.memory_space<vmem>>, vector<1x16xf32>,
            %get3A_129 = vector.shape_cast %get3A_128 : vector<1x16xf32> to vector<16xf32>
            %swap3A_130 = arith.index_cast %add3A_125 : i32 to index
            %swap3A_131 = arith.constant 48 : index
            %swap3A_132 = tpu.vector_load %arg7[%swap3A_130, %swap3A_131] {strides = array<i32>} : memref<512x64xf32, #tpu.memory_space<vmem>>, vector<1x16xf32>,
            %swap3A_133 = vector.shape_cast %swap3A_132 : vector<1x16xf32> to vector<16xf32>
            %swap3A_134 = vector.shape_cast %get3A_129 : vector<16xf32> to vector<1x16xf32>
            tpu.vector_store %arg7[%swap3A_130, %swap3A_131], %swap3A_134 {add = true, strides = array<i32>} : memref<512x64xf32, #tpu.memory_space<vmem>>, vector<1x16xf32>,
            %slice3A_135 = vector.extract_strided_slice %get3A_43 {offsets = [2], sizes = [1], strides = [1]} : vector<16xi32> to vector<1xi32>
            %squeeze3A_136 = vector.extract %slice3A_135[0] : i32 from vector<1xi32>
            %add3A_137 = arith.constant 2 : i32
            %add3A_138 = arith.addi %mul3A_40, %add3A_137 : i32
            %get3A_139 = arith.index_cast %squeeze3A_136 : i32 to index
            %get3A_140 = arith.constant 0 : index
            %get3A_141 = tpu.vector_load %arg8[%get3A_139, %get3A_140] {strides = array<i32>} : memref<16x64xf32, #tpu.memory_space<vmem>>, vector<1x16xf32>,
            %get3A_142 = vector.shape_cast %get3A_141 : vector<1x16xf32> to vector<16xf32>
            %swap3A_143 = arith.index_cast %add3A_138 : i32 to index
            %swap3A_144 = arith.constant 0 : index
            %swap3A_145 = tpu.vector_load %arg7[%swap3A_143, %swap3A_144] {strides = array<i32>} : memref<512x64xf32, #tpu.memory_space<vmem>>, vector<1x16xf32>,
            %swap3A_146 = vector.shape_cast %swap3A_145 : vector<1x16xf32> to vector<16xf32>
            %swap3A_147 = vector.shape_cast %get3A_142 : vector<16xf32> to vector<1x16xf32>
            tpu.vector_store %arg7[%swap3A_143, %swap3A_144], %swap3A_147 {add = true, strides = array<i32>} : memref<512x64xf32, #tpu.memory_space<vmem>>, vector<1x16xf32>,
            %add3A_148 = arith.constant 2 : i32
            %add3A_149 = arith.addi %mul3A_40, %add3A_148 : i32
            %get3A_150 = arith.index_cast %squeeze3A_136 : i32 to index
            %get3A_151 = arith.constant 16 : index
            %get3A_152 = tpu.vector_load %arg8[%get3A_150, %get3A_151] {strides = array<i32>} : memref<16x64xf32, #tpu.memory_space<vmem>>, vector<1x16xf32>,
            %get3A_153 = vector.shape_cast %get3A_152 : vector<1x16xf32> to vector<16xf32>
            %swap3A_154 = arith.index_cast %add3A_149 : i32 to index
            %swap3A_155 = arith.constant 16 : index
            %swap3A_156 = tpu.vector_load %arg7[%swap3A_154, %swap3A_155] {strides = array<i32>} : memref<512x64xf32, #tpu.memory_space<vmem>>, vector<1x16xf32>,
            %swap3A_157 = vector.shape_cast %swap3A_156 : vector<1x16xf32> to vector<16xf32>
            %swap3A_158 = vector.shape_cast %get3A_153 : vector<16xf32> to vector<1x16xf32>
            tpu.vector_store %arg7[%swap3A_154, %swap3A_155], %swap3A_158 {add = true, strides = array<i32>} : memref<512x64xf32, #tpu.memory_space<vmem>>, vector<1x16xf32>,
            %add3A_159 = arith.constant 2 : i32
            %add3A_160 = arith.addi %mul3A_40, %add3A_159 : i32
            %get3A_161 = arith.index_cast %squeeze3A_136 : i32 to index
            %get3A_162 = arith.constant 32 : index
            %get3A_163 = tpu.vector_load %arg8[%get3A_161, %get3A_162] {strides = array<i32>} : memref<16x64xf32, #tpu.memory_space<vmem>>, vector<1x16xf32>,
            %get3A_164 = vector.shape_cast %get3A_163 : vector<1x16xf32> to vector<16xf32>
            %swap3A_165 = arith.index_cast %add3A_160 : i32 to index
            %swap3A_166 = arith.constant 32 : index
            %swap3A_167 = tpu.vector_load %arg7[%swap3A_165, %swap3A_166] {strides = array<i32>} : memref<512x64xf32, #tpu.memory_space<vmem>>, vector<1x16xf32>,
            %swap3A_168 = vector.shape_cast %swap3A_167 : vector<1x16xf32> to vector<16xf32>
            %swap3A_169 = vector.shape_cast %get3A_164 : vector<16xf32> to vector<1x16xf32>
            tpu.vector_store %arg7[%swap3A_165, %swap3A_166], %swap3A_169 {add = true, strides = array<i32>} : memref<512x64xf32, #tpu.memory_space<vmem>>, vector<1x16xf32>,
            %add3A_170 = arith.constant 2 : i32
            %add3A_171 = arith.addi %mul3A_40, %add3A_170 : i32
            %get3A_172 = arith.index_cast %squeeze3A_136 : i32 to index
            %get3A_173 = arith.constant 48 : index
            %get3A_174 = tpu.vector_load %arg8[%get3A_172, %get3A_173] {strides = array<i32>} : memref<16x64xf32, #tpu.memory_space<vmem>>, vector<1x16xf32>,
            %get3A_175 = vector.shape_cast %get3A_174 : vector<1x16xf32> to vector<16xf32>
            %swap3A_176 = arith.index_cast %add3A_171 : i32 to index
            %swap3A_177 = arith.constant 48 : index
            %swap3A_178 = tpu.vector_load %arg7[%swap3A_176, %swap3A_177] {strides = array<i32>} : memref<512x64xf32, #tpu.memory_space<vmem>>, vector<1x16xf32>,
            %swap3A_179 = vector.shape_cast %swap3A_178 : vector<1x16xf32> to vector<16xf32>
            %swap3A_180 = vector.shape_cast %get3A_175 : vector<16xf32> to vector<1x16xf32>
            tpu.vector_store %arg7[%swap3A_176, %swap3A_177], %swap3A_180 {add = true, strides = array<i32>} : memref<512x64xf32, #tpu.memory_space<vmem>>, vector<1x16xf32>,
            %slice3A_181 = vector.extract_strided_slice %get3A_43 {offsets = [3], sizes = [1], strides = [1]} : vector<16xi32> to vector<1xi32>
            %squeeze3A_182 = vector.extract %slice3A_181[0] : i32 from vector<1xi32>
            %add3A_183 = arith.constant 3 : i32
            %add3A_184 = arith.addi %mul3A_40, %add3A_183 : i32
            %get3A_185 = arith.index_cast %squeeze3A_182 : i32 to index
            %get3A_186 = arith.constant 0 : index
            %get3A_187 = tpu.vector_load %arg8[%get3A_185, %get3A_186] {strides = array<i32>} : memref<16x64xf32, #tpu.memory_space<vmem>>, vector<1x16xf32>,
            %get3A_188 = vector.shape_cast %get3A_187 : vector<1x16xf32> to vector<16xf32>
            %swap3A_189 = arith.index_cast %add3A_184 : i32 to index
            %swap3A_190 = arith.constant 0 : index
            %swap3A_191 = tpu.vector_load %arg7[%swap3A_189, %swap3A_190] {strides = array<i32>} : memref<512x64xf32, #tpu.memory_space<vmem>>, vector<1x16xf32>,
            %swap3A_192 = vector.shape_cast %swap3A_191 : vector<1x16xf32> to vector<16xf32>
            %swap3A_193 = vector.shape_cast %get3A_188 : vector<16xf32> to vector<1x16xf32>
            tpu.vector_store %arg7[%swap3A_189, %swap3A_190], %swap3A_193 {add = true, strides = array<i32>} : memref<512x64xf32, #tpu.memory_space<vmem>>, vector<1x16xf32>,
            %add3A_194 = arith.constant 3 : i32
            %add3A_195 = arith.addi %mul3A_40, %add3A_194 : i32
            %get3A_196 = arith.index_cast %squeeze3A_182 : i32 to index
            %get3A_197 = arith.constant 16 : index
            %get3A_198 = tpu.vector_load %arg8[%get3A_196, %get3A_197] {strides = array<i32>} : memref<16x64xf32, #tpu.memory_space<vmem>>, vector<1x16xf32>,
            %get3A_199 = vector.shape_cast %get3A_198 : vector<1x16xf32> to vector<16xf32>
            %swap3A_200 = arith.index_cast %add3A_195 : i32 to index
            %swap3A_201 = arith.constant 16 : index
            %swap3A_202 = tpu.vector_load %arg7[%swap3A_200, %swap3A_201] {strides = array<i32>} : memref<512x64xf32, #tpu.memory_space<vmem>>, vector<1x16xf32>,
            %swap3A_203 = vector.shape_cast %swap3A_202 : vector<1x16xf32> to vector<16xf32>
            %swap3A_204 = vector.shape_cast %get3A_199 : vector<16xf32> to vector<1x16xf32>
            tpu.vector_store %arg7[%swap3A_200, %swap3A_201], %swap3A_204 {add = true, strides = array<i32>} : memref<512x64xf32, #tpu.memory_space<vmem>>, vector<1x16xf32>,
            %add3A_205 = arith.constant 3 : i32
            %add3A_206 = arith.addi %mul3A_40, %add3A_205 : i32
            %get3A_207 = arith.index_cast %squeeze3A_182 : i32 to index
            %get3A_208 = arith.constant 32 : index
            %get3A_209 = tpu.vector_load %arg8[%get3A_207, %get3A_208] {strides = array<i32>} : memref<16x64xf32, #tpu.memory_space<vmem>>, vector<1x16xf32>,
            %get3A_210 = vector.shape_cast %get3A_209 : vector<1x16xf32> to vector<16xf32>
            %swap3A_211 = arith.index_cast %add3A_206 : i32 to index
            %swap3A_212 = arith.constant 32 : index
            %swap3A_213 = tpu.vector_load %arg7[%swap3A_211, %swap3A_212] {strides = array<i32>} : memref<512x64xf32, #tpu.memory_space<vmem>>, vector<1x16xf32>,
            %swap3A_214 = vector.shape_cast %swap3A_213 : vector<1x16xf32> to vector<16xf32>
            %swap3A_215 = vector.shape_cast %get3A_210 : vector<16xf32> to vector<1x16xf32>
            tpu.vector_store %arg7[%swap3A_211, %swap3A_212], %swap3A_215 {add = true, strides = array<i32>} : memref<512x64xf32, #tpu.memory_space<vmem>>, vector<1x16xf32>,
            %add3A_216 = arith.constant 3 : i32
            %add3A_217 = arith.addi %mul3A_40, %add3A_216 : i32
            %get3A_218 = arith.index_cast %squeeze3A_182 : i32 to index
            %get3A_219 = arith.constant 48 : index
            %get3A_220 = tpu.vector_load %arg8[%get3A_218, %get3A_219] {strides = array<i32>} : memref<16x64xf32, #tpu.memory_space<vmem>>, vector<1x16xf32>,
            %get3A_221 = vector.shape_cast %get3A_220 : vector<1x16xf32> to vector<16xf32>
            %swap3A_222 = arith.index_cast %add3A_217 : i32 to index
            %swap3A_223 = arith.constant 48 : index
            %swap3A_224 = tpu.vector_load %arg7[%swap3A_222, %swap3A_223] {strides = array<i32>} : memref<512x64xf32, #tpu.memory_space<vmem>>, vector<1x16xf32>,
            %swap3A_225 = vector.shape_cast %swap3A_224 : vector<1x16xf32> to vector<16xf32>
            %swap3A_226 = vector.shape_cast %get3A_221 : vector<16xf32> to vector<1x16xf32>
            tpu.vector_store %arg7[%swap3A_222, %swap3A_223], %swap3A_226 {add = true, strides = array<i32>} : memref<512x64xf32, #tpu.memory_space<vmem>>, vector<1x16xf32>,
            %slice3A_227 = vector.extract_strided_slice %get3A_43 {offsets = [4], sizes = [1], strides = [1]} : vector<16xi32> to vector<1xi32>
            %squeeze3A_228 = vector.extract %slice3A_227[0] : i32 from vector<1xi32>
            %add3A_229 = arith.constant 4 : i32
            %add3A_230 = arith.addi %mul3A_40, %add3A_229 : i32
            %get3A_231 = arith.index_cast %squeeze3A_228 : i32 to index
            %get3A_232 = arith.constant 0 : index
            %get3A_233 = tpu.vector_load %arg8[%get3A_231, %get3A_232] {strides = array<i32>} : memref<16x64xf32, #tpu.memory_space<vmem>>, vector<1x16xf32>,
            %get3A_234 = vector.shape_cast %get3A_233 : vector<1x16xf32> to vector<16xf32>
            %swap3A_235 = arith.index_cast %add3A_230 : i32 to index
            %swap3A_236 = arith.constant 0 : index
            %swap3A_237 = tpu.vector_load %arg7[%swap3A_235, %swap3A_236] {strides = array<i32>} : memref<512x64xf32, #tpu.memory_space<vmem>>, vector<1x16xf32>,
            %swap3A_238 = vector.shape_cast %swap3A_237 : vector<1x16xf32> to vector<16xf32>
            %swap3A_239 = vector.shape_cast %get3A_234 : vector<16xf32> to vector<1x16xf32>
            tpu.vector_store %arg7[%swap3A_235, %swap3A_236], %swap3A_239 {add = true, strides = array<i32>} : memref<512x64xf32, #tpu.memory_space<vmem>>, vector<1x16xf32>,
            %add3A_240 = arith.constant 4 : i32
            %add3A_241 = arith.addi %mul3A_40, %add3A_240 : i32
            %get3A_242 = arith.index_cast %squeeze3A_228 : i32 to index
            %get3A_243 = arith.constant 16 : index
            %get3A_244 = tpu.vector_load %arg8[%get3A_242, %get3A_243] {strides = array<i32>} : memref<16x64xf32, #tpu.memory_space<vmem>>, vector<1x16xf32>,
            %get3A_245 = vector.shape_cast %get3A_244 : vector<1x16xf32> to vector<16xf32>
            %swap3A_246 = arith.index_cast %add3A_241 : i32 to index
            %swap3A_247 = arith.constant 16 : index
            %swap3A_248 = tpu.vector_load %arg7[%swap3A_246, %swap3A_247] {strides = array<i32>} : memref<512x64xf32, #tpu.memory_space<vmem>>, vector<1x16xf32>,
            %swap3A_249 = vector.shape_cast %swap3A_248 : vector<1x16xf32> to vector<16xf32>
            %swap3A_250 = vector.shape_cast %get3A_245 : vector<16xf32> to vector<1x16xf32>
            tpu.vector_store %arg7[%swap3A_246, %swap3A_247], %swap3A_250 {add = true, strides = array<i32>} : memref<512x64xf32, #tpu.memory_space<vmem>>, vector<1x16xf32>,
            %add3A_251 = arith.constant 4 : i32
            %add3A_252 = arith.addi %mul3A_40, %add3A_251 : i32
            %get3A_253 = arith.index_cast %squeeze3A_228 : i32 to index
            %get3A_254 = arith.constant 32 : index
            %get3A_255 = tpu.vector_load %arg8[%get3A_253, %get3A_254] {strides = array<i32>} : memref<16x64xf32, #tpu.memory_space<vmem>>, vector<1x16xf32>,
            %get3A_256 = vector.shape_cast %get3A_255 : vector<1x16xf32> to vector<16xf32>
            %swap3A_257 = arith.index_cast %add3A_252 : i32 to index
            %swap3A_258 = arith.constant 32 : index
            %swap3A_259 = tpu.vector_load %arg7[%swap3A_257, %swap3A_258] {strides = array<i32>} : memref<512x64xf32, #tpu.memory_space<vmem>>, vector<1x16xf32>,
            %swap3A_260 = vector.shape_cast %swap3A_259 : vector<1x16xf32> to vector<16xf32>
            %swap3A_261 = vector.shape_cast %get3A_256 : vector<16xf32> to vector<1x16xf32>
            tpu.vector_store %arg7[%swap3A_257, %swap3A_258], %swap3A_261 {add = true, strides = array<i32>} : memref<512x64xf32, #tpu.memory_space<vmem>>, vector<1x16xf32>,
            %add3A_262 = arith.constant 4 : i32
            %add3A_263 = arith.addi %mul3A_40, %add3A_262 : i32
            %get3A_264 = arith.index_cast %squeeze3A_228 : i32 to index
            %get3A_265 = arith.constant 48 : index
            %get3A_266 = tpu.vector_load %arg8[%get3A_264, %get3A_265] {strides = array<i32>} : memref<16x64xf32, #tpu.memory_space<vmem>>, vector<1x16xf32>,
            %get3A_267 = vector.shape_cast %get3A_266 : vector<1x16xf32> to vector<16xf32>
            %swap3A_268 = arith.index_cast %add3A_263 : i32 to index
            %swap3A_269 = arith.constant 48 : index
            %swap3A_270 = tpu.vector_load %arg7[%swap3A_268, %swap3A_269] {strides = array<i32>} : memref<512x64xf32, #tpu.memory_space<vmem>>, vector<1x16xf32>,
            %swap3A_271 = vector.shape_cast %swap3A_270 : vector<1x16xf32> to vector<16xf32>
            %swap3A_272 = vector.shape_cast %get3A_267 : vector<16xf32> to vector<1x16xf32>
            tpu.vector_store %arg7[%swap3A_268, %swap3A_269], %swap3A_272 {add = true, strides = array<i32>} : memref<512x64xf32, #tpu.memory_space<vmem>>, vector<1x16xf32>,
            %slice3A_273 = vector.extract_strided_slice %get3A_43 {offsets = [5], sizes = [1], strides = [1]} : vector<16xi32> to vector<1xi32>
            %squeeze3A_274 = vector.extract %slice3A_273[0] : i32 from vector<1xi32>
            %add3A_275 = arith.constant 5 : i32
            %add3A_276 = arith.addi %mul3A_40, %add3A_275 : i32
            %get3A_277 = arith.index_cast %squeeze3A_274 : i32 to index
            %get3A_278 = arith.constant 0 : index
            %get3A_279 = tpu.vector_load %arg8[%get3A_277, %get3A_278] {strides = array<i32>} : memref<16x64xf32, #tpu.memory_space<vmem>>, vector<1x16xf32>,
            %get3A_280 = vector.shape_cast %get3A_279 : vector<1x16xf32> to vector<16xf32>
            %swap3A_281 = arith.index_cast %add3A_276 : i32 to index
            %swap3A_282 = arith.constant 0 : index
            %swap3A_283 = tpu.vector_load %arg7[%swap3A_281, %swap3A_282] {strides = array<i32>} : memref<512x64xf32, #tpu.memory_space<vmem>>, vector<1x16xf32>,
            %swap3A_284 = vector.shape_cast %swap3A_283 : vector<1x16xf32> to vector<16xf32>
            %swap3A_285 = vector.shape_cast %get3A_280 : vector<16xf32> to vector<1x16xf32>
            tpu.vector_store %arg7[%swap3A_281, %swap3A_282], %swap3A_285 {add = true, strides = array<i32>} : memref<512x64xf32, #tpu.memory_space<vmem>>, vector<1x16xf32>,
            %add3A_286 = arith.constant 5 : i32
            %add3A_287 = arith.addi %mul3A_40, %add3A_286 : i32
            %get3A_288 = arith.index_cast %squeeze3A_274 : i32 to index
            %get3A_289 = arith.constant 16 : index
            %get3A_290 = tpu.vector_load %arg8[%get3A_288, %get3A_289] {strides = array<i32>} : memref<16x64xf32, #tpu.memory_space<vmem>>, vector<1x16xf32>,
            %get3A_291 = vector.shape_cast %get3A_290 : vector<1x16xf32> to vector<16xf32>
            %swap3A_292 = arith.index_cast %add3A_287 : i32 to index
            %swap3A_293 = arith.constant 16 : index
            %swap3A_294 = tpu.vector_load %arg7[%swap3A_292, %swap3A_293] {strides = array<i32>} : memref<512x64xf32, #tpu.memory_space<vmem>>, vector<1x16xf32>,
            %swap3A_295 = vector.shape_cast %swap3A_294 : vector<1x16xf32> to vector<16xf32>
            %swap3A_296 = vector.shape_cast %get3A_291 : vector<16xf32> to vector<1x16xf32>
            tpu.vector_store %arg7[%swap3A_292, %swap3A_293], %swap3A_296 {add = true, strides = array<i32>} : memref<512x64xf32, #tpu.memory_space<vmem>>, vector<1x16xf32>,
            %add3A_297 = arith.constant 5 : i32
            %add3A_298 = arith.addi %mul3A_40, %add3A_297 : i32
            %get3A_299 = arith.index_cast %squeeze3A_274 : i32 to index
            %get3A_300 = arith.constant 32 : index
            %get3A_301 = tpu.vector_load %arg8[%get3A_299, %get3A_300] {strides = array<i32>} : memref<16x64xf32, #tpu.memory_space<vmem>>, vector<1x16xf32>,
            %get3A_302 = vector.shape_cast %get3A_301 : vector<1x16xf32> to vector<16xf32>
            %swap3A_303 = arith.index_cast %add3A_298 : i32 to index
            %swap3A_304 = arith.constant 32 : index
            %swap3A_305 = tpu.vector_load %arg7[%swap3A_303, %swap3A_304] {strides = array<i32>} : memref<512x64xf32, #tpu.memory_space<vmem>>, vector<1x16xf32>,
            %swap3A_306 = vector.shape_cast %swap3A_305 : vector<1x16xf32> to vector<16xf32>
            %swap3A_307 = vector.shape_cast %get3A_302 : vector<16xf32> to vector<1x16xf32>
            tpu.vector_store %arg7[%swap3A_303, %swap3A_304], %swap3A_307 {add = true, strides = array<i32>} : memref<512x64xf32, #tpu.memory_space<vmem>>, vector<1x16xf32>,
            %add3A_308 = arith.constant 5 : i32
            %add3A_309 = arith.addi %mul3A_40, %add3A_308 : i32
            %get3A_310 = arith.index_cast %squeeze3A_274 : i32 to index
            %get3A_311 = arith.constant 48 : index
            %get3A_312 = tpu.vector_load %arg8[%get3A_310, %get3A_311] {strides = array<i32>} : memref<16x64xf32, #tpu.memory_space<vmem>>, vector<1x16xf32>,
            %get3A_313 = vector.shape_cast %get3A_312 : vector<1x16xf32> to vector<16xf32>
            %swap3A_314 = arith.index_cast %add3A_309 : i32 to index
            %swap3A_315 = arith.constant 48 : index
            %swap3A_316 = tpu.vector_load %arg7[%swap3A_314, %swap3A_315] {strides = array<i32>} : memref<512x64xf32, #tpu.memory_space<vmem>>, vector<1x16xf32>,
            %swap3A_317 = vector.shape_cast %swap3A_316 : vector<1x16xf32> to vector<16xf32>
            %swap3A_318 = vector.shape_cast %get3A_313 : vector<16xf32> to vector<1x16xf32>
            tpu.vector_store %arg7[%swap3A_314, %swap3A_315], %swap3A_318 {add = true, strides = array<i32>} : memref<512x64xf32, #tpu.memory_space<vmem>>, vector<1x16xf32>,
            %slice3A_319 = vector.extract_strided_slice %get3A_43 {offsets = [6], sizes = [1], strides = [1]} : vector<16xi32> to vector<1xi32>
            %squeeze3A_320 = vector.extract %slice3A_319[0] : i32 from vector<1xi32>
            %add3A_321 = arith.constant 6 : i32
            %add3A_322 = arith.addi %mul3A_40, %add3A_321 : i32
            %get3A_323 = arith.index_cast %squeeze3A_320 : i32 to index
            %get3A_324 = arith.constant 0 : index
            %get3A_325 = tpu.vector_load %arg8[%get3A_323, %get3A_324] {strides = array<i32>} : memref<16x64xf32, #tpu.memory_space<vmem>>, vector<1x16xf32>,
            %get3A_326 = vector.shape_cast %get3A_325 : vector<1x16xf32> to vector<16xf32>
            %swap3A_327 = arith.index_cast %add3A_322 : i32 to index
            %swap3A_328 = arith.constant 0 : index
            %swap3A_329 = tpu.vector_load %arg7[%swap3A_327, %swap3A_328] {strides = array<i32>} : memref<512x64xf32, #tpu.memory_space<vmem>>, vector<1x16xf32>,
            %swap3A_330 = vector.shape_cast %swap3A_329 : vector<1x16xf32> to vector<16xf32>
            %swap3A_331 = vector.shape_cast %get3A_326 : vector<16xf32> to vector<1x16xf32>
            tpu.vector_store %arg7[%swap3A_327, %swap3A_328], %swap3A_331 {add = true, strides = array<i32>} : memref<512x64xf32, #tpu.memory_space<vmem>>, vector<1x16xf32>,
            %add3A_332 = arith.constant 6 : i32
            %add3A_333 = arith.addi %mul3A_40, %add3A_332 : i32
            %get3A_334 = arith.index_cast %squeeze3A_320 : i32 to index
            %get3A_335 = arith.constant 16 : index
            %get3A_336 = tpu.vector_load %arg8[%get3A_334, %get3A_335] {strides = array<i32>} : memref<16x64xf32, #tpu.memory_space<vmem>>, vector<1x16xf32>,
            %get3A_337 = vector.shape_cast %get3A_336 : vector<1x16xf32> to vector<16xf32>
            %swap3A_338 = arith.index_cast %add3A_333 : i32 to index
            %swap3A_339 = arith.constant 16 : index
            %swap3A_340 = tpu.vector_load %arg7[%swap3A_338, %swap3A_339] {strides = array<i32>} : memref<512x64xf32, #tpu.memory_space<vmem>>, vector<1x16xf32>,
            %swap3A_341 = vector.shape_cast %swap3A_340 : vector<1x16xf32> to vector<16xf32>
            %swap3A_342 = vector.shape_cast %get3A_337 : vector<16xf32> to vector<1x16xf32>
            tpu.vector_store %arg7[%swap3A_338, %swap3A_339], %swap3A_342 {add = true, strides = array<i32>} : memref<512x64xf32, #tpu.memory_space<vmem>>, vector<1x16xf32>,
            %add3A_343 = arith.constant 6 : i32
            %add3A_344 = arith.addi %mul3A_40, %add3A_343 : i32
            %get3A_345 = arith.index_cast %squeeze3A_320 : i32 to index
            %get3A_346 = arith.constant 32 : index
            %get3A_347 = tpu.vector_load %arg8[%get3A_345, %get3A_346] {strides = array<i32>} : memref<16x64xf32, #tpu.memory_space<vmem>>, vector<1x16xf32>,
            %get3A_348 = vector.shape_cast %get3A_347 : vector<1x16xf32> to vector<16xf32>
            %swap3A_349 = arith.index_cast %add3A_344 : i32 to index
            %swap3A_350 = arith.constant 32 : index
            %swap3A_351 = tpu.vector_load %arg7[%swap3A_349, %swap3A_350] {strides = array<i32>} : memref<512x64xf32, #tpu.memory_space<vmem>>, vector<1x16xf32>,
            %swap3A_352 = vector.shape_cast %swap3A_351 : vector<1x16xf32> to vector<16xf32>
            %swap3A_353 = vector.shape_cast %get3A_348 : vector<16xf32> to vector<1x16xf32>
            tpu.vector_store %arg7[%swap3A_349, %swap3A_350], %swap3A_353 {add = true, strides = array<i32>} : memref<512x64xf32, #tpu.memory_space<vmem>>, vector<1x16xf32>,
            %add3A_354 = arith.constant 6 : i32
            %add3A_355 = arith.addi %mul3A_40, %add3A_354 : i32
            %get3A_356 = arith.index_cast %squeeze3A_320 : i32 to index
            %get3A_357 = arith.constant 48 : index
            %get3A_358 = tpu.vector_load %arg8[%get3A_356, %get3A_357] {strides = array<i32>} : memref<16x64xf32, #tpu.memory_space<vmem>>, vector<1x16xf32>,
            %get3A_359 = vector.shape_cast %get3A_358 : vector<1x16xf32> to vector<16xf32>
            %swap3A_360 = arith.index_cast %add3A_355 : i32 to index
            %swap3A_361 = arith.constant 48 : index
            %swap3A_362 = tpu.vector_load %arg7[%swap3A_360, %swap3A_361] {strides = array<i32>} : memref<512x64xf32, #tpu.memory_space<vmem>>, vector<1x16xf32>,
            %swap3A_363 = vector.shape_cast %swap3A_362 : vector<1x16xf32> to vector<16xf32>
            %swap3A_364 = vector.shape_cast %get3A_359 : vector<16xf32> to vector<1x16xf32>
            tpu.vector_store %arg7[%swap3A_360, %swap3A_361], %swap3A_364 {add = true, strides = array<i32>} : memref<512x64xf32, #tpu.memory_space<vmem>>, vector<1x16xf32>,
            %slice3A_365 = vector.extract_strided_slice %get3A_43 {offsets = [7], sizes = [1], strides = [1]} : vector<16xi32> to vector<1xi32>
            %squeeze3A_366 = vector.extract %slice3A_365[0] : i32 from vector<1xi32>
            %add3A_367 = arith.constant 7 : i32
            %add3A_368 = arith.addi %mul3A_40, %add3A_367 : i32
            %get3A_369 = arith.index_cast %squeeze3A_366 : i32 to index
            %get3A_370 = arith.constant 0 : index
            %get3A_371 = tpu.vector_load %arg8[%get3A_369, %get3A_370] {strides = array<i32>} : memref<16x64xf32, #tpu.memory_space<vmem>>, vector<1x16xf32>,
            %get3A_372 = vector.shape_cast %get3A_371 : vector<1x16xf32> to vector<16xf32>
            %swap3A_373 = arith.index_cast %add3A_368 : i32 to index
            %swap3A_374 = arith.constant 0 : index
            %swap3A_375 = tpu.vector_load %arg7[%swap3A_373, %swap3A_374] {strides = array<i32>} : memref<512x64xf32, #tpu.memory_space<vmem>>, vector<1x16xf32>,
            %swap3A_376 = vector.shape_cast %swap3A_375 : vector<1x16xf32> to vector<16xf32>
            %swap3A_377 = vector.shape_cast %get3A_372 : vector<16xf32> to vector<1x16xf32>
            tpu.vector_store %arg7[%swap3A_373, %swap3A_374], %swap3A_377 {add = true, strides = array<i32>} : memref<512x64xf32, #tpu.memory_space<vmem>>, vector<1x16xf32>,
            %add3A_378 = arith.constant 7 : i32
            %add3A_379 = arith.addi %mul3A_40, %add3A_378 : i32
            %get3A_380 = arith.index_cast %squeeze3A_366 : i32 to index
            %get3A_381 = arith.constant 16 : index
            %get3A_382 = tpu.vector_load %arg8[%get3A_380, %get3A_381] {strides = array<i32>} : memref<16x64xf32, #tpu.memory_space<vmem>>, vector<1x16xf32>,
            %get3A_383 = vector.shape_cast %get3A_382 : vector<1x16xf32> to vector<16xf32>
            %swap3A_384 = arith.index_cast %add3A_379 : i32 to index
            %swap3A_385 = arith.constant 16 : index
            %swap3A_386 = tpu.vector_load %arg7[%swap3A_384, %swap3A_385] {strides = array<i32>} : memref<512x64xf32, #tpu.memory_space<vmem>>, vector<1x16xf32>,
            %swap3A_387 = vector.shape_cast %swap3A_386 : vector<1x16xf32> to vector<16xf32>
            %swap3A_388 = vector.shape_cast %get3A_383 : vector<16xf32> to vector<1x16xf32>
            tpu.vector_store %arg7[%swap3A_384, %swap3A_385], %swap3A_388 {add = true, strides = array<i32>} : memref<512x64xf32, #tpu.memory_space<vmem>>, vector<1x16xf32>,
            %add3A_389 = arith.constant 7 : i32
            %add3A_390 = arith.addi %mul3A_40, %add3A_389 : i32
            %get3A_391 = arith.index_cast %squeeze3A_366 : i32 to index
            %get3A_392 = arith.constant 32 : index
            %get3A_393 = tpu.vector_load %arg8[%get3A_391, %get3A_392] {strides = array<i32>} : memref<16x64xf32, #tpu.memory_space<vmem>>, vector<1x16xf32>,
            %get3A_394 = vector.shape_cast %get3A_393 : vector<1x16xf32> to vector<16xf32>
            %swap3A_395 = arith.index_cast %add3A_390 : i32 to index
            %swap3A_396 = arith.constant 32 : index
            %swap3A_397 = tpu.vector_load %arg7[%swap3A_395, %swap3A_396] {strides = array<i32>} : memref<512x64xf32, #tpu.memory_space<vmem>>, vector<1x16xf32>,
            %swap3A_398 = vector.shape_cast %swap3A_397 : vector<1x16xf32> to vector<16xf32>
            %swap3A_399 = vector.shape_cast %get3A_394 : vector<16xf32> to vector<1x16xf32>
            tpu.vector_store %arg7[%swap3A_395, %swap3A_396], %swap3A_399 {add = true, strides = array<i32>} : memref<512x64xf32, #tpu.memory_space<vmem>>, vector<1x16xf32>,
            %add3A_400 = arith.constant 7 : i32
            %add3A_401 = arith.addi %mul3A_40, %add3A_400 : i32
            %get3A_402 = arith.index_cast %squeeze3A_366 : i32 to index
            %get3A_403 = arith.constant 48 : index
            %get3A_404 = tpu.vector_load %arg8[%get3A_402, %get3A_403] {strides = array<i32>} : memref<16x64xf32, #tpu.memory_space<vmem>>, vector<1x16xf32>,
            %get3A_405 = vector.shape_cast %get3A_404 : vector<1x16xf32> to vector<16xf32>
            %swap3A_406 = arith.index_cast %add3A_401 : i32 to index
            %swap3A_407 = arith.constant 48 : index
            %swap3A_408 = tpu.vector_load %arg7[%swap3A_406, %swap3A_407] {strides = array<i32>} : memref<512x64xf32, #tpu.memory_space<vmem>>, vector<1x16xf32>,
            %swap3A_409 = vector.shape_cast %swap3A_408 : vector<1x16xf32> to vector<16xf32>
            %swap3A_410 = vector.shape_cast %get3A_405 : vector<16xf32> to vector<1x16xf32>
            tpu.vector_store %arg7[%swap3A_406, %swap3A_407], %swap3A_410 {add = true, strides = array<i32>} : memref<512x64xf32, #tpu.memory_space<vmem>>, vector<1x16xf32>,
            %slice3A_411 = vector.extract_strided_slice %get3A_43 {offsets = [8], sizes = [1], strides = [1]} : vector<16xi32> to vector<1xi32>
            %squeeze3A_412 = vector.extract %slice3A_411[0] : i32 from vector<1xi32>
            %add3A_413 = arith.constant 8 : i32
            %add3A_414 = arith.addi %mul3A_40, %add3A_413 : i32
            %get3A_415 = arith.index_cast %squeeze3A_412 : i32 to index
            %get3A_416 = arith.constant 0 : index
            %get3A_417 = tpu.vector_load %arg8[%get3A_415, %get3A_416] {strides = array<i32>} : memref<16x64xf32, #tpu.memory_space<vmem>>, vector<1x16xf32>,
            %get3A_418 = vector.shape_cast %get3A_417 : vector<1x16xf32> to vector<16xf32>
            %swap3A_419 = arith.index_cast %add3A_414 : i32 to index
            %swap3A_420 = arith.constant 0 : index
            %swap3A_421 = tpu.vector_load %arg7[%swap3A_419, %swap3A_420] {strides = array<i32>} : memref<512x64xf32, #tpu.memory_space<vmem>>, vector<1x16xf32>,
            %swap3A_422 = vector.shape_cast %swap3A_421 : vector<1x16xf32> to vector<16xf32>
            %swap3A_423 = vector.shape_cast %get3A_418 : vector<16xf32> to vector<1x16xf32>
            tpu.vector_store %arg7[%swap3A_419, %swap3A_420], %swap3A_423 {add = true, strides = array<i32>} : memref<512x64xf32, #tpu.memory_space<vmem>>, vector<1x16xf32>,
            %add3A_424 = arith.constant 8 : i32
            %add3A_425 = arith.addi %mul3A_40, %add3A_424 : i32
            %get3A_426 = arith.index_cast %squeeze3A_412 : i32 to index
            %get3A_427 = arith.constant 16 : index
            %get3A_428 = tpu.vector_load %arg8[%get3A_426, %get3A_427] {strides = array<i32>} : memref<16x64xf32, #tpu.memory_space<vmem>>, vector<1x16xf32>,
            %get3A_429 = vector.shape_cast %get3A_428 : vector<1x16xf32> to vector<16xf32>
            %swap3A_430 = arith.index_cast %add3A_425 : i32 to index
            %swap3A_431 = arith.constant 16 : index
            %swap3A_432 = tpu.vector_load %arg7[%swap3A_430, %swap3A_431] {strides = array<i32>} : memref<512x64xf32, #tpu.memory_space<vmem>>, vector<1x16xf32>,
            %swap3A_433 = vector.shape_cast %swap3A_432 : vector<1x16xf32> to vector<16xf32>
            %swap3A_434 = vector.shape_cast %get3A_429 : vector<16xf32> to vector<1x16xf32>
            tpu.vector_store %arg7[%swap3A_430, %swap3A_431], %swap3A_434 {add = true, strides = array<i32>} : memref<512x64xf32, #tpu.memory_space<vmem>>, vector<1x16xf32>,
            %add3A_435 = arith.constant 8 : i32
            %add3A_436 = arith.addi %mul3A_40, %add3A_435 : i32
            %get3A_437 = arith.index_cast %squeeze3A_412 : i32 to index
            %get3A_438 = arith.constant 32 : index
            %get3A_439 = tpu.vector_load %arg8[%get3A_437, %get3A_438] {strides = array<i32>} : memref<16x64xf32, #tpu.memory_space<vmem>>, vector<1x16xf32>,
            %get3A_440 = vector.shape_cast %get3A_439 : vector<1x16xf32> to vector<16xf32>
            %swap3A_441 = arith.index_cast %add3A_436 : i32 to index
            %swap3A_442 = arith.constant 32 : index
            %swap3A_443 = tpu.vector_load %arg7[%swap3A_441, %swap3A_442] {strides = array<i32>} : memref<512x64xf32, #tpu.memory_space<vmem>>, vector<1x16xf32>,
            %swap3A_444 = vector.shape_cast %swap3A_443 : vector<1x16xf32> to vector<16xf32>
            %swap3A_445 = vector.shape_cast %get3A_440 : vector<16xf32> to vector<1x16xf32>
            tpu.vector_store %arg7[%swap3A_441, %swap3A_442], %swap3A_445 {add = true, strides = array<i32>} : memref<512x64xf32, #tpu.memory_space<vmem>>, vector<1x16xf32>,
            %add3A_446 = arith.constant 8 : i32
            %add3A_447 = arith.addi %mul3A_40, %add3A_446 : i32
            %get3A_448 = arith.index_cast %squeeze3A_412 : i32 to index
            %get3A_449 = arith.constant 48 : index
            %get3A_450 = tpu.vector_load %arg8[%get3A_448, %get3A_449] {strides = array<i32>} : memref<16x64xf32, #tpu.memory_space<vmem>>, vector<1x16xf32>,
            %get3A_451 = vector.shape_cast %get3A_450 : vector<1x16xf32> to vector<16xf32>
            %swap3A_452 = arith.index_cast %add3A_447 : i32 to index
            %swap3A_453 = arith.constant 48 : index
            %swap3A_454 = tpu.vector_load %arg7[%swap3A_452, %swap3A_453] {strides = array<i32>} : memref<512x64xf32, #tpu.memory_space<vmem>>, vector<1x16xf32>,
            %swap3A_455 = vector.shape_cast %swap3A_454 : vector<1x16xf32> to vector<16xf32>
            %swap3A_456 = vector.shape_cast %get3A_451 : vector<16xf32> to vector<1x16xf32>
            tpu.vector_store %arg7[%swap3A_452, %swap3A_453], %swap3A_456 {add = true, strides = array<i32>} : memref<512x64xf32, #tpu.memory_space<vmem>>, vector<1x16xf32>,
            %slice3A_457 = vector.extract_strided_slice %get3A_43 {offsets = [9], sizes = [1], strides = [1]} : vector<16xi32> to vector<1xi32>
            %squeeze3A_458 = vector.extract %slice3A_457[0] : i32 from vector<1xi32>
            %add3A_459 = arith.constant 9 : i32
            %add3A_460 = arith.addi %mul3A_40, %add3A_459 : i32
            %get3A_461 = arith.index_cast %squeeze3A_458 : i32 to index
            %get3A_462 = arith.constant 0 : index
            %get3A_463 = tpu.vector_load %arg8[%get3A_461, %get3A_462] {strides = array<i32>} : memref<16x64xf32, #tpu.memory_space<vmem>>, vector<1x16xf32>,
            %get3A_464 = vector.shape_cast %get3A_463 : vector<1x16xf32> to vector<16xf32>
            %swap3A_465 = arith.index_cast %add3A_460 : i32 to index
            %swap3A_466 = arith.constant 0 : index
            %swap3A_467 = tpu.vector_load %arg7[%swap3A_465, %swap3A_466] {strides = array<i32>} : memref<512x64xf32, #tpu.memory_space<vmem>>, vector<1x16xf32>,
            %swap3A_468 = vector.shape_cast %swap3A_467 : vector<1x16xf32> to vector<16xf32>
            %swap3A_469 = vector.shape_cast %get3A_464 : vector<16xf32> to vector<1x16xf32>
            tpu.vector_store %arg7[%swap3A_465, %swap3A_466], %swap3A_469 {add = true, strides = array<i32>} : memref<512x64xf32, #tpu.memory_space<vmem>>, vector<1x16xf32>,
            %add3A_470 = arith.constant 9 : i32
            %add3A_471 = arith.addi %mul3A_40, %add3A_470 : i32
            %get3A_472 = arith.index_cast %squeeze3A_458 : i32 to index
            %get3A_473 = arith.constant 16 : index
            %get3A_474 = tpu.vector_load %arg8[%get3A_472, %get3A_473] {strides = array<i32>} : memref<16x64xf32, #tpu.memory_space<vmem>>, vector<1x16xf32>,
            %get3A_475 = vector.shape_cast %get3A_474 : vector<1x16xf32> to vector<16xf32>
            %swap3A_476 = arith.index_cast %add3A_471 : i32 to index
            %swap3A_477 = arith.constant 16 : index
            %swap3A_478 = tpu.vector_load %arg7[%swap3A_476, %swap3A_477] {strides = array<i32>} : memref<512x64xf32, #tpu.memory_space<vmem>>, vector<1x16xf32>,
            %swap3A_479 = vector.shape_cast %swap3A_478 : vector<1x16xf32> to vector<16xf32>
            %swap3A_480 = vector.shape_cast %get3A_475 : vector<16xf32> to vector<1x16xf32>
            tpu.vector_store %arg7[%swap3A_476, %swap3A_477], %swap3A_480 {add = true, strides = array<i32>} : memref<512x64xf32, #tpu.memory_space<vmem>>, vector<1x16xf32>,
            %add3A_481 = arith.constant 9 : i32
            %add3A_482 = arith.addi %mul3A_40, %add3A_481 : i32
            %get3A_483 = arith.index_cast %squeeze3A_458 : i32 to index
            %get3A_484 = arith.constant 32 : index
            %get3A_485 = tpu.vector_load %arg8[%get3A_483, %get3A_484] {strides = array<i32>} : memref<16x64xf32, #tpu.memory_space<vmem>>, vector<1x16xf32>,
            %get3A_486 = vector.shape_cast %get3A_485 : vector<1x16xf32> to vector<16xf32>
            %swap3A_487 = arith.index_cast %add3A_482 : i32 to index
            %swap3A_488 = arith.constant 32 : index
            %swap3A_489 = tpu.vector_load %arg7[%swap3A_487, %swap3A_488] {strides = array<i32>} : memref<512x64xf32, #tpu.memory_space<vmem>>, vector<1x16xf32>,
            %swap3A_490 = vector.shape_cast %swap3A_489 : vector<1x16xf32> to vector<16xf32>
            %swap3A_491 = vector.shape_cast %get3A_486 : vector<16xf32> to vector<1x16xf32>
            tpu.vector_store %arg7[%swap3A_487, %swap3A_488], %swap3A_491 {add = true, strides = array<i32>} : memref<512x64xf32, #tpu.memory_space<vmem>>, vector<1x16xf32>,
            %add3A_492 = arith.constant 9 : i32
            %add3A_493 = arith.addi %mul3A_40, %add3A_492 : i32
            %get3A_494 = arith.index_cast %squeeze3A_458 : i32 to index
            %get3A_495 = arith.constant 48 : index
            %get3A_496 = tpu.vector_load %arg8[%get3A_494, %get3A_495] {strides = array<i32>} : memref<16x64xf32, #tpu.memory_space<vmem>>, vector<1x16xf32>,
            %get3A_497 = vector.shape_cast %get3A_496 : vector<1x16xf32> to vector<16xf32>
            %swap3A_498 = arith.index_cast %add3A_493 : i32 to index
            %swap3A_499 = arith.constant 48 : index
            %swap3A_500 = tpu.vector_load %arg7[%swap3A_498, %swap3A_499] {strides = array<i32>} : memref<512x64xf32, #tpu.memory_space<vmem>>, vector<1x16xf32>,
            %swap3A_501 = vector.shape_cast %swap3A_500 : vector<1x16xf32> to vector<16xf32>
            %swap3A_502 = vector.shape_cast %get3A_497 : vector<16xf32> to vector<1x16xf32>
            tpu.vector_store %arg7[%swap3A_498, %swap3A_499], %swap3A_502 {add = true, strides = array<i32>} : memref<512x64xf32, #tpu.memory_space<vmem>>, vector<1x16xf32>,
            %slice3A_503 = vector.extract_strided_slice %get3A_43 {offsets = [10], sizes = [1], strides = [1]} : vector<16xi32> to vector<1xi32>
            %squeeze3A_504 = vector.extract %slice3A_503[0] : i32 from vector<1xi32>
            %add3A_505 = arith.constant 10 : i32
            %add3A_506 = arith.addi %mul3A_40, %add3A_505 : i32
            %get3A_507 = arith.index_cast %squeeze3A_504 : i32 to index
            %get3A_508 = arith.constant 0 : index
            %get3A_509 = tpu.vector_load %arg8[%get3A_507, %get3A_508] {strides = array<i32>} : memref<16x64xf32, #tpu.memory_space<vmem>>, vector<1x16xf32>,
            %get3A_510 = vector.shape_cast %get3A_509 : vector<1x16xf32> to vector<16xf32>
            %swap3A_511 = arith.index_cast %add3A_506 : i32 to index
            %swap3A_512 = arith.constant 0 : index
            %swap3A_513 = tpu.vector_load %arg7[%swap3A_511, %swap3A_512] {strides = array<i32>} : memref<512x64xf32, #tpu.memory_space<vmem>>, vector<1x16xf32>,
            %swap3A_514 = vector.shape_cast %swap3A_513 : vector<1x16xf32> to vector<16xf32>
            %swap3A_515 = vector.shape_cast %get3A_510 : vector<16xf32> to vector<1x16xf32>
            tpu.vector_store %arg7[%swap3A_511, %swap3A_512], %swap3A_515 {add = true, strides = array<i32>} : memref<512x64xf32, #tpu.memory_space<vmem>>, vector<1x16xf32>,
            %add3A_516 = arith.constant 10 : i32
            %add3A_517 = arith.addi %mul3A_40, %add3A_516 : i32
            %get3A_518 = arith.index_cast %squeeze3A_504 : i32 to index
            %get3A_519 = arith.constant 16 : index
            %get3A_520 = tpu.vector_load %arg8[%get3A_518, %get3A_519] {strides = array<i32>} : memref<16x64xf32, #tpu.memory_space<vmem>>, vector<1x16xf32>,
            %get3A_521 = vector.shape_cast %get3A_520 : vector<1x16xf32> to vector<16xf32>
            %swap3A_522 = arith.index_cast %add3A_517 : i32 to index
            %swap3A_523 = arith.constant 16 : index
            %swap3A_524 = tpu.vector_load %arg7[%swap3A_522, %swap3A_523] {strides = array<i32>} : memref<512x64xf32, #tpu.memory_space<vmem>>, vector<1x16xf32>,
            %swap3A_525 = vector.shape_cast %swap3A_524 : vector<1x16xf32> to vector<16xf32>
            %swap3A_526 = vector.shape_cast %get3A_521 : vector<16xf32> to vector<1x16xf32>
            tpu.vector_store %arg7[%swap3A_522, %swap3A_523], %swap3A_526 {add = true, strides = array<i32>} : memref<512x64xf32, #tpu.memory_space<vmem>>, vector<1x16xf32>,
            %add3A_527 = arith.constant 10 : i32
            %add3A_528 = arith.addi %mul3A_40, %add3A_527 : i32
            %get3A_529 = arith.index_cast %squeeze3A_504 : i32 to index
            %get3A_530 = arith.constant 32 : index
            %get3A_531 = tpu.vector_load %arg8[%get3A_529, %get3A_530] {strides = array<i32>} : memref<16x64xf32, #tpu.memory_space<vmem>>, vector<1x16xf32>,
            %get3A_532 = vector.shape_cast %get3A_531 : vector<1x16xf32> to vector<16xf32>
            %swap3A_533 = arith.index_cast %add3A_528 : i32 to index
            %swap3A_534 = arith.constant 32 : index
            %swap3A_535 = tpu.vector_load %arg7[%swap3A_533, %swap3A_534] {strides = array<i32>} : memref<512x64xf32, #tpu.memory_space<vmem>>, vector<1x16xf32>,
            %swap3A_536 = vector.shape_cast %swap3A_535 : vector<1x16xf32> to vector<16xf32>
            %swap3A_537 = vector.shape_cast %get3A_532 : vector<16xf32> to vector<1x16xf32>
            tpu.vector_store %arg7[%swap3A_533, %swap3A_534], %swap3A_537 {add = true, strides = array<i32>} : memref<512x64xf32, #tpu.memory_space<vmem>>, vector<1x16xf32>,
            %add3A_538 = arith.constant 10 : i32
            %add3A_539 = arith.addi %mul3A_40, %add3A_538 : i32
            %get3A_540 = arith.index_cast %squeeze3A_504 : i32 to index
            %get3A_541 = arith.constant 48 : index
            %get3A_542 = tpu.vector_load %arg8[%get3A_540, %get3A_541] {strides = array<i32>} : memref<16x64xf32, #tpu.memory_space<vmem>>, vector<1x16xf32>,
            %get3A_543 = vector.shape_cast %get3A_542 : vector<1x16xf32> to vector<16xf32>
            %swap3A_544 = arith.index_cast %add3A_539 : i32 to index
            %swap3A_545 = arith.constant 48 : index
            %swap3A_546 = tpu.vector_load %arg7[%swap3A_544, %swap3A_545] {strides = array<i32>} : memref<512x64xf32, #tpu.memory_space<vmem>>, vector<1x16xf32>,
            %swap3A_547 = vector.shape_cast %swap3A_546 : vector<1x16xf32> to vector<16xf32>
            %swap3A_548 = vector.shape_cast %get3A_543 : vector<16xf32> to vector<1x16xf32>
            tpu.vector_store %arg7[%swap3A_544, %swap3A_545], %swap3A_548 {add = true, strides = array<i32>} : memref<512x64xf32, #tpu.memory_space<vmem>>, vector<1x16xf32>,
            %slice3A_549 = vector.extract_strided_slice %get3A_43 {offsets = [11], sizes = [1], strides = [1]} : vector<16xi32> to vector<1xi32>
            %squeeze3A_550 = vector.extract %slice3A_549[0] : i32 from vector<1xi32>
            %add3A_551 = arith.constant 11 : i32
            %add3A_552 = arith.addi %mul3A_40, %add3A_551 : i32
            %get3A_553 = arith.index_cast %squeeze3A_550 : i32 to index
            %get3A_554 = arith.constant 0 : index
            %get3A_555 = tpu.vector_load %arg8[%get3A_553, %get3A_554] {strides = array<i32>} : memref<16x64xf32, #tpu.memory_space<vmem>>, vector<1x16xf32>,
            %get3A_556 = vector.shape_cast %get3A_555 : vector<1x16xf32> to vector<16xf32>
            %swap3A_557 = arith.index_cast %add3A_552 : i32 to index
            %swap3A_558 = arith.constant 0 : index
            %swap3A_559 = tpu.vector_load %arg7[%swap3A_557, %swap3A_558] {strides = array<i32>} : memref<512x64xf32, #tpu.memory_space<vmem>>, vector<1x16xf32>,
            %swap3A_560 = vector.shape_cast %swap3A_559 : vector<1x16xf32> to vector<16xf32>
            %swap3A_561 = vector.shape_cast %get3A_556 : vector<16xf32> to vector<1x16xf32>
            tpu.vector_store %arg7[%swap3A_557, %swap3A_558], %swap3A_561 {add = true, strides = array<i32>} : memref<512x64xf32, #tpu.memory_space<vmem>>, vector<1x16xf32>,
            %add3A_562 = arith.constant 11 : i32
            %add3A_563 = arith.addi %mul3A_40, %add3A_562 : i32
            %get3A_564 = arith.index_cast %squeeze3A_550 : i32 to index
            %get3A_565 = arith.constant 16 : index
            %get3A_566 = tpu.vector_load %arg8[%get3A_564, %get3A_565] {strides = array<i32>} : memref<16x64xf32, #tpu.memory_space<vmem>>, vector<1x16xf32>,
            %get3A_567 = vector.shape_cast %get3A_566 : vector<1x16xf32> to vector<16xf32>
            %swap3A_568 = arith.index_cast %add3A_563 : i32 to index
            %swap3A_569 = arith.constant 16 : index
            %swap3A_570 = tpu.vector_load %arg7[%swap3A_568, %swap3A_569] {strides = array<i32>} : memref<512x64xf32, #tpu.memory_space<vmem>>, vector<1x16xf32>,
            %swap3A_571 = vector.shape_cast %swap3A_570 : vector<1x16xf32> to vector<16xf32>
            %swap3A_572 = vector.shape_cast %get3A_567 : vector<16xf32> to vector<1x16xf32>
            tpu.vector_store %arg7[%swap3A_568, %swap3A_569], %swap3A_572 {add = true, strides = array<i32>} : memref<512x64xf32, #tpu.memory_space<vmem>>, vector<1x16xf32>,
            %add3A_573 = arith.constant 11 : i32
            %add3A_574 = arith.addi %mul3A_40, %add3A_573 : i32
            %get3A_575 = arith.index_cast %squeeze3A_550 : i32 to index
            %get3A_576 = arith.constant 32 : index
            %get3A_577 = tpu.vector_load %arg8[%get3A_575, %get3A_576] {strides = array<i32>} : memref<16x64xf32, #tpu.memory_space<vmem>>, vector<1x16xf32>,
            %get3A_578 = vector.shape_cast %get3A_577 : vector<1x16xf32> to vector<16xf32>
            %swap3A_579 = arith.index_cast %add3A_574 : i32 to index
            %swap3A_580 = arith.constant 32 : index
            %swap3A_581 = tpu.vector_load %arg7[%swap3A_579, %swap3A_580] {strides = array<i32>} : memref<512x64xf32, #tpu.memory_space<vmem>>, vector<1x16xf32>,
            %swap3A_582 = vector.shape_cast %swap3A_581 : vector<1x16xf32> to vector<16xf32>
            %swap3A_583 = vector.shape_cast %get3A_578 : vector<16xf32> to vector<1x16xf32>
            tpu.vector_store %arg7[%swap3A_579, %swap3A_580], %swap3A_583 {add = true, strides = array<i32>} : memref<512x64xf32, #tpu.memory_space<vmem>>, vector<1x16xf32>,
            %add3A_584 = arith.constant 11 : i32
            %add3A_585 = arith.addi %mul3A_40, %add3A_584 : i32
            %get3A_586 = arith.index_cast %squeeze3A_550 : i32 to index
            %get3A_587 = arith.constant 48 : index
            %get3A_588 = tpu.vector_load %arg8[%get3A_586, %get3A_587] {strides = array<i32>} : memref<16x64xf32, #tpu.memory_space<vmem>>, vector<1x16xf32>,
            %get3A_589 = vector.shape_cast %get3A_588 : vector<1x16xf32> to vector<16xf32>
            %swap3A_590 = arith.index_cast %add3A_585 : i32 to index
            %swap3A_591 = arith.constant 48 : index
            %swap3A_592 = tpu.vector_load %arg7[%swap3A_590, %swap3A_591] {strides = array<i32>} : memref<512x64xf32, #tpu.memory_space<vmem>>, vector<1x16xf32>,
            %swap3A_593 = vector.shape_cast %swap3A_592 : vector<1x16xf32> to vector<16xf32>
            %swap3A_594 = vector.shape_cast %get3A_589 : vector<16xf32> to vector<1x16xf32>
            tpu.vector_store %arg7[%swap3A_590, %swap3A_591], %swap3A_594 {add = true, strides = array<i32>} : memref<512x64xf32, #tpu.memory_space<vmem>>, vector<1x16xf32>,
            %slice3A_595 = vector.extract_strided_slice %get3A_43 {offsets = [12], sizes = [1], strides = [1]} : vector<16xi32> to vector<1xi32>
            %squeeze3A_596 = vector.extract %slice3A_595[0] : i32 from vector<1xi32>
            %add3A_597 = arith.constant 12 : i32
            %add3A_598 = arith.addi %mul3A_40, %add3A_597 : i32
            %get3A_599 = arith.index_cast %squeeze3A_596 : i32 to index
            %get3A_600 = arith.constant 0 : index
            %get3A_601 = tpu.vector_load %arg8[%get3A_599, %get3A_600] {strides = array<i32>} : memref<16x64xf32, #tpu.memory_space<vmem>>, vector<1x16xf32>,
            %get3A_602 = vector.shape_cast %get3A_601 : vector<1x16xf32> to vector<16xf32>
            %swap3A_603 = arith.index_cast %add3A_598 : i32 to index
            %swap3A_604 = arith.constant 0 : index
            %swap3A_605 = tpu.vector_load %arg7[%swap3A_603, %swap3A_604] {strides = array<i32>} : memref<512x64xf32, #tpu.memory_space<vmem>>, vector<1x16xf32>,
            %swap3A_606 = vector.shape_cast %swap3A_605 : vector<1x16xf32> to vector<16xf32>
            %swap3A_607 = vector.shape_cast %get3A_602 : vector<16xf32> to vector<1x16xf32>
            tpu.vector_store %arg7[%swap3A_603, %swap3A_604], %swap3A_607 {add = true, strides = array<i32>} : memref<512x64xf32, #tpu.memory_space<vmem>>, vector<1x16xf32>,
            %add3A_608 = arith.constant 12 : i32
            %add3A_609 = arith.addi %mul3A_40, %add3A_608 : i32
            %get3A_610 = arith.index_cast %squeeze3A_596 : i32 to index
            %get3A_611 = arith.constant 16 : index
            %get3A_612 = tpu.vector_load %arg8[%get3A_610, %get3A_611] {strides = array<i32>} : memref<16x64xf32, #tpu.memory_space<vmem>>, vector<1x16xf32>,
            %get3A_613 = vector.shape_cast %get3A_612 : vector<1x16xf32> to vector<16xf32>
            %swap3A_614 = arith.index_cast %add3A_609 : i32 to index
            %swap3A_615 = arith.constant 16 : index
            %swap3A_616 = tpu.vector_load %arg7[%swap3A_614, %swap3A_615] {strides = array<i32>} : memref<512x64xf32, #tpu.memory_space<vmem>>, vector<1x16xf32>,
            %swap3A_617 = vector.shape_cast %swap3A_616 : vector<1x16xf32> to vector<16xf32>
            %swap3A_618 = vector.shape_cast %get3A_613 : vector<16xf32> to vector<1x16xf32>
            tpu.vector_store %arg7[%swap3A_614, %swap3A_615], %swap3A_618 {add = true, strides = array<i32>} : memref<512x64xf32, #tpu.memory_space<vmem>>, vector<1x16xf32>,
            %add3A_619 = arith.constant 12 : i32
            %add3A_620 = arith.addi %mul3A_40, %add3A_619 : i32
            %get3A_621 = arith.index_cast %squeeze3A_596 : i32 to index
            %get3A_622 = arith.constant 32 : index
            %get3A_623 = tpu.vector_load %arg8[%get3A_621, %get3A_622] {strides = array<i32>} : memref<16x64xf32, #tpu.memory_space<vmem>>, vector<1x16xf32>,
            %get3A_624 = vector.shape_cast %get3A_623 : vector<1x16xf32> to vector<16xf32>
            %swap3A_625 = arith.index_cast %add3A_620 : i32 to index
            %swap3A_626 = arith.constant 32 : index
            %swap3A_627 = tpu.vector_load %arg7[%swap3A_625, %swap3A_626] {strides = array<i32>} : memref<512x64xf32, #tpu.memory_space<vmem>>, vector<1x16xf32>,
            %swap3A_628 = vector.shape_cast %swap3A_627 : vector<1x16xf32> to vector<16xf32>
            %swap3A_629 = vector.shape_cast %get3A_624 : vector<16xf32> to vector<1x16xf32>
            tpu.vector_store %arg7[%swap3A_625, %swap3A_626], %swap3A_629 {add = true, strides = array<i32>} : memref<512x64xf32, #tpu.memory_space<vmem>>, vector<1x16xf32>,
            %add3A_630 = arith.constant 12 : i32
            %add3A_631 = arith.addi %mul3A_40, %add3A_630 : i32
            %get3A_632 = arith.index_cast %squeeze3A_596 : i32 to index
            %get3A_633 = arith.constant 48 : index
            %get3A_634 = tpu.vector_load %arg8[%get3A_632, %get3A_633] {strides = array<i32>} : memref<16x64xf32, #tpu.memory_space<vmem>>, vector<1x16xf32>,
            %get3A_635 = vector.shape_cast %get3A_634 : vector<1x16xf32> to vector<16xf32>
            %swap3A_636 = arith.index_cast %add3A_631 : i32 to index
            %swap3A_637 = arith.constant 48 : index
            %swap3A_638 = tpu.vector_load %arg7[%swap3A_636, %swap3A_637] {strides = array<i32>} : memref<512x64xf32, #tpu.memory_space<vmem>>, vector<1x16xf32>,
            %swap3A_639 = vector.shape_cast %swap3A_638 : vector<1x16xf32> to vector<16xf32>
            %swap3A_640 = vector.shape_cast %get3A_635 : vector<16xf32> to vector<1x16xf32>
            tpu.vector_store %arg7[%swap3A_636, %swap3A_637], %swap3A_640 {add = true, strides = array<i32>} : memref<512x64xf32, #tpu.memory_space<vmem>>, vector<1x16xf32>,
            %slice3A_641 = vector.extract_strided_slice %get3A_43 {offsets = [13], sizes = [1], strides = [1]} : vector<16xi32> to vector<1xi32>
            %squeeze3A_642 = vector.extract %slice3A_641[0] : i32 from vector<1xi32>
            %add3A_643 = arith.constant 13 : i32
            %add3A_644 = arith.addi %mul3A_40, %add3A_643 : i32
            %get3A_645 = arith.index_cast %squeeze3A_642 : i32 to index
            %get3A_646 = arith.constant 0 : index
            %get3A_647 = tpu.vector_load %arg8[%get3A_645, %get3A_646] {strides = array<i32>} : memref<16x64xf32, #tpu.memory_space<vmem>>, vector<1x16xf32>,
            %get3A_648 = vector.shape_cast %get3A_647 : vector<1x16xf32> to vector<16xf32>
            %swap3A_649 = arith.index_cast %add3A_644 : i32 to index
            %swap3A_650 = arith.constant 0 : index
            %swap3A_651 = tpu.vector_load %arg7[%swap3A_649, %swap3A_650] {strides = array<i32>} : memref<512x64xf32, #tpu.memory_space<vmem>>, vector<1x16xf32>,
            %swap3A_652 = vector.shape_cast %swap3A_651 : vector<1x16xf32> to vector<16xf32>
            %swap3A_653 = vector.shape_cast %get3A_648 : vector<16xf32> to vector<1x16xf32>
            tpu.vector_store %arg7[%swap3A_649, %swap3A_650], %swap3A_653 {add = true, strides = array<i32>} : memref<512x64xf32, #tpu.memory_space<vmem>>, vector<1x16xf32>,
            %add3A_654 = arith.constant 13 : i32
            %add3A_655 = arith.addi %mul3A_40, %add3A_654 : i32
            %get3A_656 = arith.index_cast %squeeze3A_642 : i32 to index
            %get3A_657 = arith.constant 16 : index
            %get3A_658 = tpu.vector_load %arg8[%get3A_656, %get3A_657] {strides = array<i32>} : memref<16x64xf32, #tpu.memory_space<vmem>>, vector<1x16xf32>,
            %get3A_659 = vector.shape_cast %get3A_658 : vector<1x16xf32> to vector<16xf32>
            %swap3A_660 = arith.index_cast %add3A_655 : i32 to index
            %swap3A_661 = arith.constant 16 : index
            %swap3A_662 = tpu.vector_load %arg7[%swap3A_660, %swap3A_661] {strides = array<i32>} : memref<512x64xf32, #tpu.memory_space<vmem>>, vector<1x16xf32>,
            %swap3A_663 = vector.shape_cast %swap3A_662 : vector<1x16xf32> to vector<16xf32>
            %swap3A_664 = vector.shape_cast %get3A_659 : vector<16xf32> to vector<1x16xf32>
            tpu.vector_store %arg7[%swap3A_660, %swap3A_661], %swap3A_664 {add = true, strides = array<i32>} : memref<512x64xf32, #tpu.memory_space<vmem>>, vector<1x16xf32>,
            %add3A_665 = arith.constant 13 : i32
            %add3A_666 = arith.addi %mul3A_40, %add3A_665 : i32
            %get3A_667 = arith.index_cast %squeeze3A_642 : i32 to index
            %get3A_668 = arith.constant 32 : index
            %get3A_669 = tpu.vector_load %arg8[%get3A_667, %get3A_668] {strides = array<i32>} : memref<16x64xf32, #tpu.memory_space<vmem>>, vector<1x16xf32>,
            %get3A_670 = vector.shape_cast %get3A_669 : vector<1x16xf32> to vector<16xf32>
            %swap3A_671 = arith.index_cast %add3A_666 : i32 to index
            %swap3A_672 = arith.constant 32 : index
            %swap3A_673 = tpu.vector_load %arg7[%swap3A_671, %swap3A_672] {strides = array<i32>} : memref<512x64xf32, #tpu.memory_space<vmem>>, vector<1x16xf32>,
            %swap3A_674 = vector.shape_cast %swap3A_673 : vector<1x16xf32> to vector<16xf32>
            %swap3A_675 = vector.shape_cast %get3A_670 : vector<16xf32> to vector<1x16xf32>
            tpu.vector_store %arg7[%swap3A_671, %swap3A_672], %swap3A_675 {add = true, strides = array<i32>} : memref<512x64xf32, #tpu.memory_space<vmem>>, vector<1x16xf32>,
            %add3A_676 = arith.constant 13 : i32
            %add3A_677 = arith.addi %mul3A_40, %add3A_676 : i32
            %get3A_678 = arith.index_cast %squeeze3A_642 : i32 to index
            %get3A_679 = arith.constant 48 : index
            %get3A_680 = tpu.vector_load %arg8[%get3A_678, %get3A_679] {strides = array<i32>} : memref<16x64xf32, #tpu.memory_space<vmem>>, vector<1x16xf32>,
            %get3A_681 = vector.shape_cast %get3A_680 : vector<1x16xf32> to vector<16xf32>
            %swap3A_682 = arith.index_cast %add3A_677 : i32 to index
            %swap3A_683 = arith.constant 48 : index
            %swap3A_684 = tpu.vector_load %arg7[%swap3A_682, %swap3A_683] {strides = array<i32>} : memref<512x64xf32, #tpu.memory_space<vmem>>, vector<1x16xf32>,
            %swap3A_685 = vector.shape_cast %swap3A_684 : vector<1x16xf32> to vector<16xf32>
            %swap3A_686 = vector.shape_cast %get3A_681 : vector<16xf32> to vector<1x16xf32>
            tpu.vector_store %arg7[%swap3A_682, %swap3A_683], %swap3A_686 {add = true, strides = array<i32>} : memref<512x64xf32, #tpu.memory_space<vmem>>, vector<1x16xf32>,
            %slice3A_687 = vector.extract_strided_slice %get3A_43 {offsets = [14], sizes = [1], strides = [1]} : vector<16xi32> to vector<1xi32>
            %squeeze3A_688 = vector.extract %slice3A_687[0] : i32 from vector<1xi32>
            %add3A_689 = arith.constant 14 : i32
            %add3A_690 = arith.addi %mul3A_40, %add3A_689 : i32
            %get3A_691 = arith.index_cast %squeeze3A_688 : i32 to index
            %get3A_692 = arith.constant 0 : index
            %get3A_693 = tpu.vector_load %arg8[%get3A_691, %get3A_692] {strides = array<i32>} : memref<16x64xf32, #tpu.memory_space<vmem>>, vector<1x16xf32>,
            %get3A_694 = vector.shape_cast %get3A_693 : vector<1x16xf32> to vector<16xf32>
            %swap3A_695 = arith.index_cast %add3A_690 : i32 to index
            %swap3A_696 = arith.constant 0 : index
            %swap3A_697 = tpu.vector_load %arg7[%swap3A_695, %swap3A_696] {strides = array<i32>} : memref<512x64xf32, #tpu.memory_space<vmem>>, vector<1x16xf32>,
            %swap3A_698 = vector.shape_cast %swap3A_697 : vector<1x16xf32> to vector<16xf32>
            %swap3A_699 = vector.shape_cast %get3A_694 : vector<16xf32> to vector<1x16xf32>
            tpu.vector_store %arg7[%swap3A_695, %swap3A_696], %swap3A_699 {add = true, strides = array<i32>} : memref<512x64xf32, #tpu.memory_space<vmem>>, vector<1x16xf32>,
            %add3A_700 = arith.constant 14 : i32
            %add3A_701 = arith.addi %mul3A_40, %add3A_700 : i32
            %get3A_702 = arith.index_cast %squeeze3A_688 : i32 to index
            %get3A_703 = arith.constant 16 : index
            %get3A_704 = tpu.vector_load %arg8[%get3A_702, %get3A_703] {strides = array<i32>} : memref<16x64xf32, #tpu.memory_space<vmem>>, vector<1x16xf32>,
            %get3A_705 = vector.shape_cast %get3A_704 : vector<1x16xf32> to vector<16xf32>
            %swap3A_706 = arith.index_cast %add3A_701 : i32 to index
            %swap3A_707 = arith.constant 16 : index
            %swap3A_708 = tpu.vector_load %arg7[%swap3A_706, %swap3A_707] {strides = array<i32>} : memref<512x64xf32, #tpu.memory_space<vmem>>, vector<1x16xf32>,
            %swap3A_709 = vector.shape_cast %swap3A_708 : vector<1x16xf32> to vector<16xf32>
            %swap3A_710 = vector.shape_cast %get3A_705 : vector<16xf32> to vector<1x16xf32>
            tpu.vector_store %arg7[%swap3A_706, %swap3A_707], %swap3A_710 {add = true, strides = array<i32>} : memref<512x64xf32, #tpu.memory_space<vmem>>, vector<1x16xf32>,
            %add3A_711 = arith.constant 14 : i32
            %add3A_712 = arith.addi %mul3A_40, %add3A_711 : i32
            %get3A_713 = arith.index_cast %squeeze3A_688 : i32 to index
            %get3A_714 = arith.constant 32 : index
            %get3A_715 = tpu.vector_load %arg8[%get3A_713, %get3A_714] {strides = array<i32>} : memref<16x64xf32, #tpu.memory_space<vmem>>, vector<1x16xf32>,
            %get3A_716 = vector.shape_cast %get3A_715 : vector<1x16xf32> to vector<16xf32>
            %swap3A_717 = arith.index_cast %add3A_712 : i32 to index
            %swap3A_718 = arith.constant 32 : index
            %swap3A_719 = tpu.vector_load %arg7[%swap3A_717, %swap3A_718] {strides = array<i32>} : memref<512x64xf32, #tpu.memory_space<vmem>>, vector<1x16xf32>,
            %swap3A_720 = vector.shape_cast %swap3A_719 : vector<1x16xf32> to vector<16xf32>
            %swap3A_721 = vector.shape_cast %get3A_716 : vector<16xf32> to vector<1x16xf32>
            tpu.vector_store %arg7[%swap3A_717, %swap3A_718], %swap3A_721 {add = true, strides = array<i32>} : memref<512x64xf32, #tpu.memory_space<vmem>>, vector<1x16xf32>,
            %add3A_722 = arith.constant 14 : i32
            %add3A_723 = arith.addi %mul3A_40, %add3A_722 : i32
            %get3A_724 = arith.index_cast %squeeze3A_688 : i32 to index
            %get3A_725 = arith.constant 48 : index
            %get3A_726 = tpu.vector_load %arg8[%get3A_724, %get3A_725] {strides = array<i32>} : memref<16x64xf32, #tpu.memory_space<vmem>>, vector<1x16xf32>,
            %get3A_727 = vector.shape_cast %get3A_726 : vector<1x16xf32> to vector<16xf32>
            %swap3A_728 = arith.index_cast %add3A_723 : i32 to index
            %swap3A_729 = arith.constant 48 : index
            %swap3A_730 = tpu.vector_load %arg7[%swap3A_728, %swap3A_729] {strides = array<i32>} : memref<512x64xf32, #tpu.memory_space<vmem>>, vector<1x16xf32>,
            %swap3A_731 = vector.shape_cast %swap3A_730 : vector<1x16xf32> to vector<16xf32>
            %swap3A_732 = vector.shape_cast %get3A_727 : vector<16xf32> to vector<1x16xf32>
            tpu.vector_store %arg7[%swap3A_728, %swap3A_729], %swap3A_732 {add = true, strides = array<i32>} : memref<512x64xf32, #tpu.memory_space<vmem>>, vector<1x16xf32>,
            %slice3A_733 = vector.extract_strided_slice %get3A_43 {offsets = [15], sizes = [1], strides = [1]} : vector<16xi32> to vector<1xi32>
            %squeeze3A_734 = vector.extract %slice3A_733[0] : i32 from vector<1xi32>
            %add3A_735 = arith.constant 15 : i32
            %add3A_736 = arith.addi %mul3A_40, %add3A_735 : i32
            %get3A_737 = arith.index_cast %squeeze3A_734 : i32 to index
            %get3A_738 = arith.constant 0 : index
            %get3A_739 = tpu.vector_load %arg8[%get3A_737, %get3A_738] {strides = array<i32>} : memref<16x64xf32, #tpu.memory_space<vmem>>, vector<1x16xf32>,
            %get3A_740 = vector.shape_cast %get3A_739 : vector<1x16xf32> to vector<16xf32>
            %swap3A_741 = arith.index_cast %add3A_736 : i32 to index
            %swap3A_742 = arith.constant 0 : index
            %swap3A_743 = tpu.vector_load %arg7[%swap3A_741, %swap3A_742] {strides = array<i32>} : memref<512x64xf32, #tpu.memory_space<vmem>>, vector<1x16xf32>,
            %swap3A_744 = vector.shape_cast %swap3A_743 : vector<1x16xf32> to vector<16xf32>
            %swap3A_745 = vector.shape_cast %get3A_740 : vector<16xf32> to vector<1x16xf32>
            tpu.vector_store %arg7[%swap3A_741, %swap3A_742], %swap3A_745 {add = true, strides = array<i32>} : memref<512x64xf32, #tpu.memory_space<vmem>>, vector<1x16xf32>,
            %add3A_746 = arith.constant 15 : i32
            %add3A_747 = arith.addi %mul3A_40, %add3A_746 : i32
            %get3A_748 = arith.index_cast %squeeze3A_734 : i32 to index
            %get3A_749 = arith.constant 16 : index
            %get3A_750 = tpu.vector_load %arg8[%get3A_748, %get3A_749] {strides = array<i32>} : memref<16x64xf32, #tpu.memory_space<vmem>>, vector<1x16xf32>,
            %get3A_751 = vector.shape_cast %get3A_750 : vector<1x16xf32> to vector<16xf32>
            %swap3A_752 = arith.index_cast %add3A_747 : i32 to index
            %swap3A_753 = arith.constant 16 : index
            %swap3A_754 = tpu.vector_load %arg7[%swap3A_752, %swap3A_753] {strides = array<i32>} : memref<512x64xf32, #tpu.memory_space<vmem>>, vector<1x16xf32>,
            %swap3A_755 = vector.shape_cast %swap3A_754 : vector<1x16xf32> to vector<16xf32>
            %swap3A_756 = vector.shape_cast %get3A_751 : vector<16xf32> to vector<1x16xf32>
            tpu.vector_store %arg7[%swap3A_752, %swap3A_753], %swap3A_756 {add = true, strides = array<i32>} : memref<512x64xf32, #tpu.memory_space<vmem>>, vector<1x16xf32>,
            %add3A_757 = arith.constant 15 : i32
            %add3A_758 = arith.addi %mul3A_40, %add3A_757 : i32
            %get3A_759 = arith.index_cast %squeeze3A_734 : i32 to index
            %get3A_760 = arith.constant 32 : index
            %get3A_761 = tpu.vector_load %arg8[%get3A_759, %get3A_760] {strides = array<i32>} : memref<16x64xf32, #tpu.memory_space<vmem>>, vector<1x16xf32>,
            %get3A_762 = vector.shape_cast %get3A_761 : vector<1x16xf32> to vector<16xf32>
            %swap3A_763 = arith.index_cast %add3A_758 : i32 to index
            %swap3A_764 = arith.constant 32 : index
            %swap3A_765 = tpu.vector_load %arg7[%swap3A_763, %swap3A_764] {strides = array<i32>} : memref<512x64xf32, #tpu.memory_space<vmem>>, vector<1x16xf32>,
            %swap3A_766 = vector.shape_cast %swap3A_765 : vector<1x16xf32> to vector<16xf32>
            %swap3A_767 = vector.shape_cast %get3A_762 : vector<16xf32> to vector<1x16xf32>
            tpu.vector_store %arg7[%swap3A_763, %swap3A_764], %swap3A_767 {add = true, strides = array<i32>} : memref<512x64xf32, #tpu.memory_space<vmem>>, vector<1x16xf32>,
            %add3A_768 = arith.constant 15 : i32
            %add3A_769 = arith.addi %mul3A_40, %add3A_768 : i32
            %get3A_770 = arith.index_cast %squeeze3A_734 : i32 to index
            %get3A_771 = arith.constant 48 : index
            %get3A_772 = tpu.vector_load %arg8[%get3A_770, %get3A_771] {strides = array<i32>} : memref<16x64xf32, #tpu.memory_space<vmem>>, vector<1x16xf32>,
            %get3A_773 = vector.shape_cast %get3A_772 : vector<1x16xf32> to vector<16xf32>
            %swap3A_774 = arith.index_cast %add3A_769 : i32 to index
            %swap3A_775 = arith.constant 48 : index
            %swap3A_776 = tpu.vector_load %arg7[%swap3A_774, %swap3A_775] {strides = array<i32>} : memref<512x64xf32, #tpu.memory_space<vmem>>, vector<1x16xf32>,
            %swap3A_777 = vector.shape_cast %swap3A_776 : vector<1x16xf32> to vector<16xf32>
            %swap3A_778 = vector.shape_cast %get3A_773 : vector<16xf32> to vector<1x16xf32>
            tpu.vector_store %arg7[%swap3A_774, %swap3A_775], %swap3A_778 {add = true, strides = array<i32>} : memref<512x64xf32, #tpu.memory_space<vmem>>, vector<1x16xf32>,
          }
          %scan3A_37 = arith.constant 32 : i32
        } else {
        }
        "tpu.region"() ({
          %run_scoped3A = tpu.sem_alloc : memref<!tpu.dma_semaphore, #tpu.memory_space<semaphore_mem>>
          %dma_start3A = arith.constant 0 : i32
          %dma_start3A_32 = arith.constant 0 : i32
          %dma_start3A_33 = tpu.memref_slice %arg7[%dma_start3A, %dma_start3A_32] : memref<512x64xf32, #tpu.memory_space<vmem>> -> memref<512x64xf32, #tpu.memory_space<vmem>>
          %dma_start3A_34 = arith.constant 0 : i32
          %dma_start3A_35 = tpu.memref_slice %arg5[%mul3A_17, %dma_start3A_34] : memref<1000000x64xf32, #tpu.memory_space<hbm>> -> memref<512x64xf32, #tpu.memory_space<hbm>>
          %dma_start3A_36 = arith.constant 0 : i32
          %dma_start3A_37 = tpu.memref_slice %arg5[%mul3A_17, %dma_start3A_36] : memref<1000000x64xf32, #tpu.memory_space<hbm>> -> memref<512x64xf32, #tpu.memory_space<hbm>>
          %dma_start3A_38 = arith.constant 0 : i32
          %dma_start3A_39 = arith.constant 0 : i32
          %dma_start3A_40 = tpu.memref_slice %arg7[%dma_start3A_38, %dma_start3A_39] : memref<512x64xf32, #tpu.memory_space<vmem>> -> memref<512x64xf32, #tpu.memory_space<vmem>>
          tpu.enqueue_dma source(%dma_start3A_40 : memref<512x64xf32, #tpu.memory_space<vmem>>) target(%dma_start3A_37 : memref<512x64xf32, #tpu.memory_space<hbm>>) target_semaphore(%run_scoped3A : memref<!tpu.dma_semaphore, #tpu.memory_space<semaphore_mem>>)
          %dma_wait3A = arith.constant 0 : i32
          %dma_wait3A_41 = arith.constant 0 : i32
          %dma_wait3A_42 = tpu.memref_slice %arg7[%dma_wait3A, %dma_wait3A_41] : memref<512x64xf32, #tpu.memory_space<vmem>> -> memref<512x64xf32, #tpu.memory_space<vmem>>
          %dma_wait3A_43 = arith.constant 0 : i32
          %dma_wait3A_44 = tpu.memref_slice %arg5[%mul3A_17, %dma_wait3A_43] : memref<1000000x64xf32, #tpu.memory_space<hbm>> -> memref<512x64xf32, #tpu.memory_space<hbm>>
          %dma_wait3A_45 = arith.constant 0 : i32
          %dma_wait3A_46 = tpu.memref_slice %arg5[%mul3A_17, %dma_wait3A_45] : memref<1000000x64xf32, #tpu.memory_space<hbm>> -> memref<512x64xf32, #tpu.memory_space<hbm>>
          %dma_wait3A_47 = arith.constant 0 : i32
          %dma_wait3A_48 = arith.constant 0 : i32
          %dma_wait3A_49 = tpu.memref_slice %arg7[%dma_wait3A_47, %dma_wait3A_48] : memref<512x64xf32, #tpu.memory_space<vmem>> -> memref<512x64xf32, #tpu.memory_space<vmem>>
          tpu.wait_dma2 semaphore(%run_scoped3A : memref<!tpu.dma_semaphore, #tpu.memory_space<semaphore_mem>>) src(%dma_wait3A_49 : memref<512x64xf32, #tpu.memory_space<vmem>>) dst(%dma_wait3A_46 : memref<512x64xf32, #tpu.memory_space<hbm>>)
          tpu.yield
        }) : () -> ()
      } else {
      }
    }
    %scan3A_5 = arith.constant 62 : i32
    %eq3A = arith.constant 31 : i32
    %eq3A_6 = arith.cmpi eq, %add3A, %eq3A : i32
    %convert_element_type3A = arith.extui %eq3A_6 : i1 to i32
    %cond3A = arith.constant 0 : i32
    %cond3A_7 = arith.cmpi ne, %convert_element_type3A, %cond3A : i32
    scf.if %cond3A_7 {
      "tpu.region"() ({
        %run_scoped3A = tpu.sem_alloc : memref<!tpu.dma_semaphore, #tpu.memory_space<semaphore_mem>>
        %dma_start3A = arith.constant 0 : i32
        %dma_start3A_22 = tpu.memref_slice %arg6[%dma_start3A] : memref<512xi32, #tpu.memory_space<vmem>> -> memref<64xi32, #tpu.memory_space<vmem>>
        %dma_start3A_23 = arith.constant 999936 : i32
        %dma_start3A_24 = tpu.memref_slice %arg4[%dma_start3A_23] : memref<1000000xi32, #tpu.memory_space<hbm>> -> memref<64xi32, #tpu.memory_space<hbm>>
        %dma_start3A_25 = arith.constant 0 : i32
        %dma_start3A_26 = tpu.memref_slice %arg6[%dma_start3A_25] : memref<512xi32, #tpu.memory_space<vmem>> -> memref<64xi32, #tpu.memory_space<vmem>>
        %dma_start3A_27 = arith.constant 999936 : i32
        %dma_start3A_28 = tpu.memref_slice %arg4[%dma_start3A_27] : memref<1000000xi32, #tpu.memory_space<hbm>> -> memref<64xi32, #tpu.memory_space<hbm>>
        tpu.enqueue_dma source(%dma_start3A_28 : memref<64xi32, #tpu.memory_space<hbm>>) target(%dma_start3A_26 : memref<64xi32, #tpu.memory_space<vmem>>) target_semaphore(%run_scoped3A : memref<!tpu.dma_semaphore, #tpu.memory_space<semaphore_mem>>)
        %dma_wait3A = arith.constant 0 : i32
        %dma_wait3A_29 = tpu.memref_slice %arg6[%dma_wait3A] : memref<512xi32, #tpu.memory_space<vmem>> -> memref<64xi32, #tpu.memory_space<vmem>>
        %dma_wait3A_30 = arith.constant 999936 : i32
        %dma_wait3A_31 = tpu.memref_slice %arg4[%dma_wait3A_30] : memref<1000000xi32, #tpu.memory_space<hbm>> -> memref<64xi32, #tpu.memory_space<hbm>>
        %dma_wait3A_32 = arith.constant 0 : i32
        %dma_wait3A_33 = tpu.memref_slice %arg6[%dma_wait3A_32] : memref<512xi32, #tpu.memory_space<vmem>> -> memref<64xi32, #tpu.memory_space<vmem>>
        %dma_wait3A_34 = arith.constant 999936 : i32
        %dma_wait3A_35 = tpu.memref_slice %arg4[%dma_wait3A_34] : memref<1000000xi32, #tpu.memory_space<hbm>> -> memref<64xi32, #tpu.memory_space<hbm>>
        tpu.wait_dma2 semaphore(%run_scoped3A : memref<!tpu.dma_semaphore, #tpu.memory_space<semaphore_mem>>) src(%dma_wait3A_35 : memref<64xi32, #tpu.memory_space<hbm>>) dst(%dma_wait3A_33 : memref<64xi32, #tpu.memory_space<vmem>>)
        tpu.yield
      }) : () -> ()
      "tpu.region"() ({
        %run_scoped3A = tpu.sem_alloc : memref<!tpu.dma_semaphore, #tpu.memory_space<semaphore_mem>>
        %dma_start3A = arith.constant 0 : i32
        %dma_start3A_22 = arith.constant 0 : i32
        %dma_start3A_23 = tpu.memref_slice %arg7[%dma_start3A, %dma_start3A_22] : memref<512x64xf32, #tpu.memory_space<vmem>> -> memref<64x64xf32, #tpu.memory_space<vmem>>
        %dma_start3A_24 = arith.constant 999936 : i32
        %dma_start3A_25 = arith.constant 0 : i32
        %dma_start3A_26 = tpu.memref_slice %arg2[%dma_start3A_24, %dma_start3A_25] : memref<1000000x64xf32, #tpu.memory_space<hbm>> -> memref<64x64xf32, #tpu.memory_space<hbm>>
        %dma_start3A_27 = arith.constant 0 : i32
        %dma_start3A_28 = arith.constant 0 : i32
        %dma_start3A_29 = tpu.memref_slice %arg7[%dma_start3A_27, %dma_start3A_28] : memref<512x64xf32, #tpu.memory_space<vmem>> -> memref<64x64xf32, #tpu.memory_space<vmem>>
        %dma_start3A_30 = arith.constant 999936 : i32
        %dma_start3A_31 = arith.constant 0 : i32
        %dma_start3A_32 = tpu.memref_slice %arg2[%dma_start3A_30, %dma_start3A_31] : memref<1000000x64xf32, #tpu.memory_space<hbm>> -> memref<64x64xf32, #tpu.memory_space<hbm>>
        tpu.enqueue_dma source(%dma_start3A_32 : memref<64x64xf32, #tpu.memory_space<hbm>>) target(%dma_start3A_29 : memref<64x64xf32, #tpu.memory_space<vmem>>) target_semaphore(%run_scoped3A : memref<!tpu.dma_semaphore, #tpu.memory_space<semaphore_mem>>)
        %dma_wait3A = arith.constant 0 : i32
        %dma_wait3A_33 = arith.constant 0 : i32
        %dma_wait3A_34 = tpu.memref_slice %arg7[%dma_wait3A, %dma_wait3A_33] : memref<512x64xf32, #tpu.memory_space<vmem>> -> memref<64x64xf32, #tpu.memory_space<vmem>>
        %dma_wait3A_35 = arith.constant 999936 : i32
        %dma_wait3A_36 = arith.constant 0 : i32
        %dma_wait3A_37 = tpu.memref_slice %arg2[%dma_wait3A_35, %dma_wait3A_36] : memref<1000000x64xf32, #tpu.memory_space<hbm>> -> memref<64x64xf32, #tpu.memory_space<hbm>>
        %dma_wait3A_38 = arith.constant 0 : i32
        %dma_wait3A_39 = arith.constant 0 : i32
        %dma_wait3A_40 = tpu.memref_slice %arg7[%dma_wait3A_38, %dma_wait3A_39] : memref<512x64xf32, #tpu.memory_space<vmem>> -> memref<64x64xf32, #tpu.memory_space<vmem>>
        %dma_wait3A_41 = arith.constant 999936 : i32
        %dma_wait3A_42 = arith.constant 0 : i32
        %dma_wait3A_43 = tpu.memref_slice %arg2[%dma_wait3A_41, %dma_wait3A_42] : memref<1000000x64xf32, #tpu.memory_space<hbm>> -> memref<64x64xf32, #tpu.memory_space<hbm>>
        tpu.wait_dma2 semaphore(%run_scoped3A : memref<!tpu.dma_semaphore, #tpu.memory_space<semaphore_mem>>) src(%dma_wait3A_43 : memref<64x64xf32, #tpu.memory_space<hbm>>) dst(%dma_wait3A_40 : memref<64x64xf32, #tpu.memory_space<vmem>>)
        tpu.yield
      }) : () -> ()
      %get3A = arith.constant 0 : index
      %get3A_8 = tpu.vector_load %arg6[%get3A] {strides = array<i32>} : memref<512xi32, #tpu.memory_space<vmem>>, vector<16xi32>,
      %get3A_9 = vector.shape_cast %get3A_8 : vector<16xi32> to vector<16xi32>
      %slice3A = vector.extract_strided_slice %get3A_9 {offsets = [0], sizes = [1], strides = [1]} : vector<16xi32> to vector<1xi32>
      %squeeze3A = vector.extract %slice3A[0] : i32 from vector<1xi32>
      %get3A_10 = arith.constant 48 : index
      %get3A_11 = tpu.vector_load %arg6[%get3A_10] {strides = array<i32>} : memref<512xi32, #tpu.memory_space<vmem>>, vector<16xi32>,
      %get3A_12 = vector.shape_cast %get3A_11 : vector<16xi32> to vector<16xi32>
      %slice3A_13 = vector.extract_strided_slice %get3A_12 {offsets = [15], sizes = [1], strides = [1]} : vector<16xi32> to vector<1xi32>
      %squeeze3A_14 = vector.extract %slice3A_13[0] : i32 from vector<1xi32>
      %eq3A_15 = arith.cmpi eq, %squeeze3A, %squeeze3A_14 : i32
      %convert_element_type3A_16 = arith.extui %eq3A_15 : i1 to i32
      %cond3A_17 = arith.constant 0 : i32
      %cond3A_18 = arith.cmpi ne, %convert_element_type3A_16, %cond3A_17 : i32
      scf.if %cond3A_18 {
        %get3A_22 = arith.index_cast %squeeze3A : i32 to index
        %get3A_23 = arith.constant 0 : index
        %get3A_24 = tpu.vector_load %arg8[%get3A_22, %get3A_23] {strides = array<i32>} : memref<16x64xf32, #tpu.memory_space<vmem>>, vector<1x16xf32>,
        %get3A_25 = vector.shape_cast %get3A_24 : vector<1x16xf32> to vector<16xf32>
        %get3A_26 = arith.index_cast %squeeze3A : i32 to index
        %get3A_27 = arith.constant 16 : index
        %get3A_28 = tpu.vector_load %arg8[%get3A_26, %get3A_27] {strides = array<i32>} : memref<16x64xf32, #tpu.memory_space<vmem>>, vector<1x16xf32>,
        %get3A_29 = vector.shape_cast %get3A_28 : vector<1x16xf32> to vector<16xf32>
        %get3A_30 = arith.index_cast %squeeze3A : i32 to index
        %get3A_31 = arith.constant 32 : index
        %get3A_32 = tpu.vector_load %arg8[%get3A_30, %get3A_31] {strides = array<i32>} : memref<16x64xf32, #tpu.memory_space<vmem>>, vector<1x16xf32>,
        %get3A_33 = vector.shape_cast %get3A_32 : vector<1x16xf32> to vector<16xf32>
        %get3A_34 = arith.index_cast %squeeze3A : i32 to index
        %get3A_35 = arith.constant 48 : index
        %get3A_36 = tpu.vector_load %arg8[%get3A_34, %get3A_35] {strides = array<i32>} : memref<16x64xf32, #tpu.memory_space<vmem>>, vector<1x16xf32>,
        %get3A_37 = vector.shape_cast %get3A_36 : vector<1x16xf32> to vector<16xf32>
        %scan3A_38 = arith.constant 0 : i32
        %scan3A_39 = arith.constant 0 : i32
        %scan3A_40 = arith.constant 64 : i32
        %scan3A_41 = arith.addi %scan3A_39, %scan3A_40 : i32
        %scan3A_42 = arith.constant 1 : i32
        scf.for %scan3A_44 = %scan3A_39 to %scan3A_41 step %scan3A_42  : i32 {
          %swap3A = arith.index_cast %scan3A_44 : i32 to index
          %swap3A_45 = arith.constant 0 : index
          %swap3A_46 = tpu.vector_load %arg7[%swap3A, %swap3A_45] {strides = array<i32>} : memref<512x64xf32, #tpu.memory_space<vmem>>, vector<1x16xf32>,
          %swap3A_47 = vector.shape_cast %swap3A_46 : vector<1x16xf32> to vector<16xf32>
          %swap3A_48 = vector.shape_cast %get3A_25 : vector<16xf32> to vector<1x16xf32>
          tpu.vector_store %arg7[%swap3A, %swap3A_45], %swap3A_48 {add = true, strides = array<i32>} : memref<512x64xf32, #tpu.memory_space<vmem>>, vector<1x16xf32>,
          %swap3A_49 = arith.index_cast %scan3A_44 : i32 to index
          %swap3A_50 = arith.constant 16 : index
          %swap3A_51 = tpu.vector_load %arg7[%swap3A_49, %swap3A_50] {strides = array<i32>} : memref<512x64xf32, #tpu.memory_space<vmem>>, vector<1x16xf32>,
          %swap3A_52 = vector.shape_cast %swap3A_51 : vector<1x16xf32> to vector<16xf32>
          %swap3A_53 = vector.shape_cast %get3A_29 : vector<16xf32> to vector<1x16xf32>
          tpu.vector_store %arg7[%swap3A_49, %swap3A_50], %swap3A_53 {add = true, strides = array<i32>} : memref<512x64xf32, #tpu.memory_space<vmem>>, vector<1x16xf32>,
          %swap3A_54 = arith.index_cast %scan3A_44 : i32 to index
          %swap3A_55 = arith.constant 32 : index
          %swap3A_56 = tpu.vector_load %arg7[%swap3A_54, %swap3A_55] {strides = array<i32>} : memref<512x64xf32, #tpu.memory_space<vmem>>, vector<1x16xf32>,
          %swap3A_57 = vector.shape_cast %swap3A_56 : vector<1x16xf32> to vector<16xf32>
          %swap3A_58 = vector.shape_cast %get3A_33 : vector<16xf32> to vector<1x16xf32>
          tpu.vector_store %arg7[%swap3A_54, %swap3A_55], %swap3A_58 {add = true, strides = array<i32>} : memref<512x64xf32, #tpu.memory_space<vmem>>, vector<1x16xf32>,
          %swap3A_59 = arith.index_cast %scan3A_44 : i32 to index
          %swap3A_60 = arith.constant 48 : index
          %swap3A_61 = tpu.vector_load %arg7[%swap3A_59, %swap3A_60] {strides = array<i32>} : memref<512x64xf32, #tpu.memory_space<vmem>>, vector<1x16xf32>,
          %swap3A_62 = vector.shape_cast %swap3A_61 : vector<1x16xf32> to vector<16xf32>
          %swap3A_63 = vector.shape_cast %get3A_37 : vector<16xf32> to vector<1x16xf32>
          tpu.vector_store %arg7[%swap3A_59, %swap3A_60], %swap3A_63 {add = true, strides = array<i32>} : memref<512x64xf32, #tpu.memory_space<vmem>>, vector<1x16xf32>,
        }
        %scan3A_43 = arith.constant 64 : i32
      } else {
      }
      %ne3A = arith.cmpi ne, %squeeze3A, %squeeze3A_14 : i32
      %convert_element_type3A_19 = arith.extui %ne3A : i1 to i32
      %cond3A_20 = arith.constant 0 : i32
      %cond3A_21 = arith.cmpi ne, %convert_element_type3A_19, %cond3A_20 : i32
      scf.if %cond3A_21 {
        %scan3A_22 = arith.constant 0 : i32
        %scan3A_23 = arith.constant 0 : i32
        %scan3A_24 = arith.constant 4 : i32
        %scan3A_25 = arith.addi %scan3A_23, %scan3A_24 : i32
        %scan3A_26 = arith.constant 1 : i32
        scf.for %scan3A_28 = %scan3A_23 to %scan3A_25 step %scan3A_26  : i32 {
          %mul3A_29 = arith.constant 16 : i32
          %mul3A_30 = arith.muli %scan3A_28, %mul3A_29 : i32
          %get3A_31 = arith.index_cast %mul3A_30 : i32 to index
          %get3A_32 = tpu.vector_load %arg6[%get3A_31] {strides = array<i32>} : memref<512xi32, #tpu.memory_space<vmem>>, vector<16xi32>,
          %get3A_33 = vector.shape_cast %get3A_32 : vector<16xi32> to vector<16xi32>
          %slice3A_34 = vector.extract_strided_slice %get3A_33 {offsets = [0], sizes = [1], strides = [1]} : vector<16xi32> to vector<1xi32>
          %squeeze3A_35 = vector.extract %slice3A_34[0] : i32 from vector<1xi32>
          %add3A_36 = arith.constant 0 : i32
          %add3A_37 = arith.addi %mul3A_30, %add3A_36 : i32
          %get3A_38 = arith.index_cast %squeeze3A_35 : i32 to index
          %get3A_39 = arith.constant 0 : index
          %get3A_40 = tpu.vector_load %arg8[%get3A_38, %get3A_39] {strides = array<i32>} : memref<16x64xf32, #tpu.memory_space<vmem>>, vector<1x16xf32>,
          %get3A_41 = vector.shape_cast %get3A_40 : vector<1x16xf32> to vector<16xf32>
          %swap3A = arith.index_cast %add3A_37 : i32 to index
          %swap3A_42 = arith.constant 0 : index
          %swap3A_43 = tpu.vector_load %arg7[%swap3A, %swap3A_42] {strides = array<i32>} : memref<512x64xf32, #tpu.memory_space<vmem>>, vector<1x16xf32>,
          %swap3A_44 = vector.shape_cast %swap3A_43 : vector<1x16xf32> to vector<16xf32>
          %swap3A_45 = vector.shape_cast %get3A_41 : vector<16xf32> to vector<1x16xf32>
          tpu.vector_store %arg7[%swap3A, %swap3A_42], %swap3A_45 {add = true, strides = array<i32>} : memref<512x64xf32, #tpu.memory_space<vmem>>, vector<1x16xf32>,
          %add3A_46 = arith.constant 0 : i32
          %add3A_47 = arith.addi %mul3A_30, %add3A_46 : i32
          %get3A_48 = arith.index_cast %squeeze3A_35 : i32 to index
          %get3A_49 = arith.constant 16 : index
          %get3A_50 = tpu.vector_load %arg8[%get3A_48, %get3A_49] {strides = array<i32>} : memref<16x64xf32, #tpu.memory_space<vmem>>, vector<1x16xf32>,
          %get3A_51 = vector.shape_cast %get3A_50 : vector<1x16xf32> to vector<16xf32>
          %swap3A_52 = arith.index_cast %add3A_47 : i32 to index
          %swap3A_53 = arith.constant 16 : index
          %swap3A_54 = tpu.vector_load %arg7[%swap3A_52, %swap3A_53] {strides = array<i32>} : memref<512x64xf32, #tpu.memory_space<vmem>>, vector<1x16xf32>,
          %swap3A_55 = vector.shape_cast %swap3A_54 : vector<1x16xf32> to vector<16xf32>
          %swap3A_56 = vector.shape_cast %get3A_51 : vector<16xf32> to vector<1x16xf32>
          tpu.vector_store %arg7[%swap3A_52, %swap3A_53], %swap3A_56 {add = true, strides = array<i32>} : memref<512x64xf32, #tpu.memory_space<vmem>>, vector<1x16xf32>,
          %add3A_57 = arith.constant 0 : i32
          %add3A_58 = arith.addi %mul3A_30, %add3A_57 : i32
          %get3A_59 = arith.index_cast %squeeze3A_35 : i32 to index
          %get3A_60 = arith.constant 32 : index
          %get3A_61 = tpu.vector_load %arg8[%get3A_59, %get3A_60] {strides = array<i32>} : memref<16x64xf32, #tpu.memory_space<vmem>>, vector<1x16xf32>,
          %get3A_62 = vector.shape_cast %get3A_61 : vector<1x16xf32> to vector<16xf32>
          %swap3A_63 = arith.index_cast %add3A_58 : i32 to index
          %swap3A_64 = arith.constant 32 : index
          %swap3A_65 = tpu.vector_load %arg7[%swap3A_63, %swap3A_64] {strides = array<i32>} : memref<512x64xf32, #tpu.memory_space<vmem>>, vector<1x16xf32>,
          %swap3A_66 = vector.shape_cast %swap3A_65 : vector<1x16xf32> to vector<16xf32>
          %swap3A_67 = vector.shape_cast %get3A_62 : vector<16xf32> to vector<1x16xf32>
          tpu.vector_store %arg7[%swap3A_63, %swap3A_64], %swap3A_67 {add = true, strides = array<i32>} : memref<512x64xf32, #tpu.memory_space<vmem>>, vector<1x16xf32>,
          %add3A_68 = arith.constant 0 : i32
          %add3A_69 = arith.addi %mul3A_30, %add3A_68 : i32
          %get3A_70 = arith.index_cast %squeeze3A_35 : i32 to index
          %get3A_71 = arith.constant 48 : index
          %get3A_72 = tpu.vector_load %arg8[%get3A_70, %get3A_71] {strides = array<i32>} : memref<16x64xf32, #tpu.memory_space<vmem>>, vector<1x16xf32>,
          %get3A_73 = vector.shape_cast %get3A_72 : vector<1x16xf32> to vector<16xf32>
          %swap3A_74 = arith.index_cast %add3A_69 : i32 to index
          %swap3A_75 = arith.constant 48 : index
          %swap3A_76 = tpu.vector_load %arg7[%swap3A_74, %swap3A_75] {strides = array<i32>} : memref<512x64xf32, #tpu.memory_space<vmem>>, vector<1x16xf32>,
          %swap3A_77 = vector.shape_cast %swap3A_76 : vector<1x16xf32> to vector<16xf32>
          %swap3A_78 = vector.shape_cast %get3A_73 : vector<16xf32> to vector<1x16xf32>
          tpu.vector_store %arg7[%swap3A_74, %swap3A_75], %swap3A_78 {add = true, strides = array<i32>} : memref<512x64xf32, #tpu.memory_space<vmem>>, vector<1x16xf32>,
          %slice3A_79 = vector.extract_strided_slice %get3A_33 {offsets = [1], sizes = [1], strides = [1]} : vector<16xi32> to vector<1xi32>
          %squeeze3A_80 = vector.extract %slice3A_79[0] : i32 from vector<1xi32>
          %add3A_81 = arith.constant 1 : i32
          %add3A_82 = arith.addi %mul3A_30, %add3A_81 : i32
          %get3A_83 = arith.index_cast %squeeze3A_80 : i32 to index
          %get3A_84 = arith.constant 0 : index
          %get3A_85 = tpu.vector_load %arg8[%get3A_83, %get3A_84] {strides = array<i32>} : memref<16x64xf32, #tpu.memory_space<vmem>>, vector<1x16xf32>,
          %get3A_86 = vector.shape_cast %get3A_85 : vector<1x16xf32> to vector<16xf32>
          %swap3A_87 = arith.index_cast %add3A_82 : i32 to index
          %swap3A_88 = arith.constant 0 : index
          %swap3A_89 = tpu.vector_load %arg7[%swap3A_87, %swap3A_88] {strides = array<i32>} : memref<512x64xf32, #tpu.memory_space<vmem>>, vector<1x16xf32>,
          %swap3A_90 = vector.shape_cast %swap3A_89 : vector<1x16xf32> to vector<16xf32>
          %swap3A_91 = vector.shape_cast %get3A_86 : vector<16xf32> to vector<1x16xf32>
          tpu.vector_store %arg7[%swap3A_87, %swap3A_88], %swap3A_91 {add = true, strides = array<i32>} : memref<512x64xf32, #tpu.memory_space<vmem>>, vector<1x16xf32>,
          %add3A_92 = arith.constant 1 : i32
          %add3A_93 = arith.addi %mul3A_30, %add3A_92 : i32
          %get3A_94 = arith.index_cast %squeeze3A_80 : i32 to index
          %get3A_95 = arith.constant 16 : index
          %get3A_96 = tpu.vector_load %arg8[%get3A_94, %get3A_95] {strides = array<i32>} : memref<16x64xf32, #tpu.memory_space<vmem>>, vector<1x16xf32>,
          %get3A_97 = vector.shape_cast %get3A_96 : vector<1x16xf32> to vector<16xf32>
          %swap3A_98 = arith.index_cast %add3A_93 : i32 to index
          %swap3A_99 = arith.constant 16 : index
          %swap3A_100 = tpu.vector_load %arg7[%swap3A_98, %swap3A_99] {strides = array<i32>} : memref<512x64xf32, #tpu.memory_space<vmem>>, vector<1x16xf32>,
          %swap3A_101 = vector.shape_cast %swap3A_100 : vector<1x16xf32> to vector<16xf32>
          %swap3A_102 = vector.shape_cast %get3A_97 : vector<16xf32> to vector<1x16xf32>
          tpu.vector_store %arg7[%swap3A_98, %swap3A_99], %swap3A_102 {add = true, strides = array<i32>} : memref<512x64xf32, #tpu.memory_space<vmem>>, vector<1x16xf32>,
          %add3A_103 = arith.constant 1 : i32
          %add3A_104 = arith.addi %mul3A_30, %add3A_103 : i32
          %get3A_105 = arith.index_cast %squeeze3A_80 : i32 to index
          %get3A_106 = arith.constant 32 : index
          %get3A_107 = tpu.vector_load %arg8[%get3A_105, %get3A_106] {strides = array<i32>} : memref<16x64xf32, #tpu.memory_space<vmem>>, vector<1x16xf32>,
          %get3A_108 = vector.shape_cast %get3A_107 : vector<1x16xf32> to vector<16xf32>
          %swap3A_109 = arith.index_cast %add3A_104 : i32 to index
          %swap3A_110 = arith.constant 32 : index
          %swap3A_111 = tpu.vector_load %arg7[%swap3A_109, %swap3A_110] {strides = array<i32>} : memref<512x64xf32, #tpu.memory_space<vmem>>, vector<1x16xf32>,
          %swap3A_112 = vector.shape_cast %swap3A_111 : vector<1x16xf32> to vector<16xf32>
          %swap3A_113 = vector.shape_cast %get3A_108 : vector<16xf32> to vector<1x16xf32>
          tpu.vector_store %arg7[%swap3A_109, %swap3A_110], %swap3A_113 {add = true, strides = array<i32>} : memref<512x64xf32, #tpu.memory_space<vmem>>, vector<1x16xf32>,
          %add3A_114 = arith.constant 1 : i32
          %add3A_115 = arith.addi %mul3A_30, %add3A_114 : i32
          %get3A_116 = arith.index_cast %squeeze3A_80 : i32 to index
          %get3A_117 = arith.constant 48 : index
          %get3A_118 = tpu.vector_load %arg8[%get3A_116, %get3A_117] {strides = array<i32>} : memref<16x64xf32, #tpu.memory_space<vmem>>, vector<1x16xf32>,
          %get3A_119 = vector.shape_cast %get3A_118 : vector<1x16xf32> to vector<16xf32>
          %swap3A_120 = arith.index_cast %add3A_115 : i32 to index
          %swap3A_121 = arith.constant 48 : index
          %swap3A_122 = tpu.vector_load %arg7[%swap3A_120, %swap3A_121] {strides = array<i32>} : memref<512x64xf32, #tpu.memory_space<vmem>>, vector<1x16xf32>,
          %swap3A_123 = vector.shape_cast %swap3A_122 : vector<1x16xf32> to vector<16xf32>
          %swap3A_124 = vector.shape_cast %get3A_119 : vector<16xf32> to vector<1x16xf32>
          tpu.vector_store %arg7[%swap3A_120, %swap3A_121], %swap3A_124 {add = true, strides = array<i32>} : memref<512x64xf32, #tpu.memory_space<vmem>>, vector<1x16xf32>,
          %slice3A_125 = vector.extract_strided_slice %get3A_33 {offsets = [2], sizes = [1], strides = [1]} : vector<16xi32> to vector<1xi32>
          %squeeze3A_126 = vector.extract %slice3A_125[0] : i32 from vector<1xi32>
          %add3A_127 = arith.constant 2 : i32
          %add3A_128 = arith.addi %mul3A_30, %add3A_127 : i32
          %get3A_129 = arith.index_cast %squeeze3A_126 : i32 to index
          %get3A_130 = arith.constant 0 : index
          %get3A_131 = tpu.vector_load %arg8[%get3A_129, %get3A_130] {strides = array<i32>} : memref<16x64xf32, #tpu.memory_space<vmem>>, vector<1x16xf32>,
          %get3A_132 = vector.shape_cast %get3A_131 : vector<1x16xf32> to vector<16xf32>
          %swap3A_133 = arith.index_cast %add3A_128 : i32 to index
          %swap3A_134 = arith.constant 0 : index
          %swap3A_135 = tpu.vector_load %arg7[%swap3A_133, %swap3A_134] {strides = array<i32>} : memref<512x64xf32, #tpu.memory_space<vmem>>, vector<1x16xf32>,
          %swap3A_136 = vector.shape_cast %swap3A_135 : vector<1x16xf32> to vector<16xf32>
          %swap3A_137 = vector.shape_cast %get3A_132 : vector<16xf32> to vector<1x16xf32>
          tpu.vector_store %arg7[%swap3A_133, %swap3A_134], %swap3A_137 {add = true, strides = array<i32>} : memref<512x64xf32, #tpu.memory_space<vmem>>, vector<1x16xf32>,
          %add3A_138 = arith.constant 2 : i32
          %add3A_139 = arith.addi %mul3A_30, %add3A_138 : i32
          %get3A_140 = arith.index_cast %squeeze3A_126 : i32 to index
          %get3A_141 = arith.constant 16 : index
          %get3A_142 = tpu.vector_load %arg8[%get3A_140, %get3A_141] {strides = array<i32>} : memref<16x64xf32, #tpu.memory_space<vmem>>, vector<1x16xf32>,
          %get3A_143 = vector.shape_cast %get3A_142 : vector<1x16xf32> to vector<16xf32>
          %swap3A_144 = arith.index_cast %add3A_139 : i32 to index
          %swap3A_145 = arith.constant 16 : index
          %swap3A_146 = tpu.vector_load %arg7[%swap3A_144, %swap3A_145] {strides = array<i32>} : memref<512x64xf32, #tpu.memory_space<vmem>>, vector<1x16xf32>,
          %swap3A_147 = vector.shape_cast %swap3A_146 : vector<1x16xf32> to vector<16xf32>
          %swap3A_148 = vector.shape_cast %get3A_143 : vector<16xf32> to vector<1x16xf32>
          tpu.vector_store %arg7[%swap3A_144, %swap3A_145], %swap3A_148 {add = true, strides = array<i32>} : memref<512x64xf32, #tpu.memory_space<vmem>>, vector<1x16xf32>,
          %add3A_149 = arith.constant 2 : i32
          %add3A_150 = arith.addi %mul3A_30, %add3A_149 : i32
          %get3A_151 = arith.index_cast %squeeze3A_126 : i32 to index
          %get3A_152 = arith.constant 32 : index
          %get3A_153 = tpu.vector_load %arg8[%get3A_151, %get3A_152] {strides = array<i32>} : memref<16x64xf32, #tpu.memory_space<vmem>>, vector<1x16xf32>,
          %get3A_154 = vector.shape_cast %get3A_153 : vector<1x16xf32> to vector<16xf32>
          %swap3A_155 = arith.index_cast %add3A_150 : i32 to index
          %swap3A_156 = arith.constant 32 : index
          %swap3A_157 = tpu.vector_load %arg7[%swap3A_155, %swap3A_156] {strides = array<i32>} : memref<512x64xf32, #tpu.memory_space<vmem>>, vector<1x16xf32>,
          %swap3A_158 = vector.shape_cast %swap3A_157 : vector<1x16xf32> to vector<16xf32>
          %swap3A_159 = vector.shape_cast %get3A_154 : vector<16xf32> to vector<1x16xf32>
          tpu.vector_store %arg7[%swap3A_155, %swap3A_156], %swap3A_159 {add = true, strides = array<i32>} : memref<512x64xf32, #tpu.memory_space<vmem>>, vector<1x16xf32>,
          %add3A_160 = arith.constant 2 : i32
          %add3A_161 = arith.addi %mul3A_30, %add3A_160 : i32
          %get3A_162 = arith.index_cast %squeeze3A_126 : i32 to index
          %get3A_163 = arith.constant 48 : index
          %get3A_164 = tpu.vector_load %arg8[%get3A_162, %get3A_163] {strides = array<i32>} : memref<16x64xf32, #tpu.memory_space<vmem>>, vector<1x16xf32>,
          %get3A_165 = vector.shape_cast %get3A_164 : vector<1x16xf32> to vector<16xf32>
          %swap3A_166 = arith.index_cast %add3A_161 : i32 to index
          %swap3A_167 = arith.constant 48 : index
          %swap3A_168 = tpu.vector_load %arg7[%swap3A_166, %swap3A_167] {strides = array<i32>} : memref<512x64xf32, #tpu.memory_space<vmem>>, vector<1x16xf32>,
          %swap3A_169 = vector.shape_cast %swap3A_168 : vector<1x16xf32> to vector<16xf32>
          %swap3A_170 = vector.shape_cast %get3A_165 : vector<16xf32> to vector<1x16xf32>
          tpu.vector_store %arg7[%swap3A_166, %swap3A_167], %swap3A_170 {add = true, strides = array<i32>} : memref<512x64xf32, #tpu.memory_space<vmem>>, vector<1x16xf32>,
          %slice3A_171 = vector.extract_strided_slice %get3A_33 {offsets = [3], sizes = [1], strides = [1]} : vector<16xi32> to vector<1xi32>
          %squeeze3A_172 = vector.extract %slice3A_171[0] : i32 from vector<1xi32>
          %add3A_173 = arith.constant 3 : i32
          %add3A_174 = arith.addi %mul3A_30, %add3A_173 : i32
          %get3A_175 = arith.index_cast %squeeze3A_172 : i32 to index
          %get3A_176 = arith.constant 0 : index
          %get3A_177 = tpu.vector_load %arg8[%get3A_175, %get3A_176] {strides = array<i32>} : memref<16x64xf32, #tpu.memory_space<vmem>>, vector<1x16xf32>,
          %get3A_178 = vector.shape_cast %get3A_177 : vector<1x16xf32> to vector<16xf32>
          %swap3A_179 = arith.index_cast %add3A_174 : i32 to index
          %swap3A_180 = arith.constant 0 : index
          %swap3A_181 = tpu.vector_load %arg7[%swap3A_179, %swap3A_180] {strides = array<i32>} : memref<512x64xf32, #tpu.memory_space<vmem>>, vector<1x16xf32>,
          %swap3A_182 = vector.shape_cast %swap3A_181 : vector<1x16xf32> to vector<16xf32>
          %swap3A_183 = vector.shape_cast %get3A_178 : vector<16xf32> to vector<1x16xf32>
          tpu.vector_store %arg7[%swap3A_179, %swap3A_180], %swap3A_183 {add = true, strides = array<i32>} : memref<512x64xf32, #tpu.memory_space<vmem>>, vector<1x16xf32>,
          %add3A_184 = arith.constant 3 : i32
          %add3A_185 = arith.addi %mul3A_30, %add3A_184 : i32
          %get3A_186 = arith.index_cast %squeeze3A_172 : i32 to index
          %get3A_187 = arith.constant 16 : index
          %get3A_188 = tpu.vector_load %arg8[%get3A_186, %get3A_187] {strides = array<i32>} : memref<16x64xf32, #tpu.memory_space<vmem>>, vector<1x16xf32>,
          %get3A_189 = vector.shape_cast %get3A_188 : vector<1x16xf32> to vector<16xf32>
          %swap3A_190 = arith.index_cast %add3A_185 : i32 to index
          %swap3A_191 = arith.constant 16 : index
          %swap3A_192 = tpu.vector_load %arg7[%swap3A_190, %swap3A_191] {strides = array<i32>} : memref<512x64xf32, #tpu.memory_space<vmem>>, vector<1x16xf32>,
          %swap3A_193 = vector.shape_cast %swap3A_192 : vector<1x16xf32> to vector<16xf32>
          %swap3A_194 = vector.shape_cast %get3A_189 : vector<16xf32> to vector<1x16xf32>
          tpu.vector_store %arg7[%swap3A_190, %swap3A_191], %swap3A_194 {add = true, strides = array<i32>} : memref<512x64xf32, #tpu.memory_space<vmem>>, vector<1x16xf32>,
          %add3A_195 = arith.constant 3 : i32
          %add3A_196 = arith.addi %mul3A_30, %add3A_195 : i32
          %get3A_197 = arith.index_cast %squeeze3A_172 : i32 to index
          %get3A_198 = arith.constant 32 : index
          %get3A_199 = tpu.vector_load %arg8[%get3A_197, %get3A_198] {strides = array<i32>} : memref<16x64xf32, #tpu.memory_space<vmem>>, vector<1x16xf32>,
          %get3A_200 = vector.shape_cast %get3A_199 : vector<1x16xf32> to vector<16xf32>
          %swap3A_201 = arith.index_cast %add3A_196 : i32 to index
          %swap3A_202 = arith.constant 32 : index
          %swap3A_203 = tpu.vector_load %arg7[%swap3A_201, %swap3A_202] {strides = array<i32>} : memref<512x64xf32, #tpu.memory_space<vmem>>, vector<1x16xf32>,
          %swap3A_204 = vector.shape_cast %swap3A_203 : vector<1x16xf32> to vector<16xf32>
          %swap3A_205 = vector.shape_cast %get3A_200 : vector<16xf32> to vector<1x16xf32>
          tpu.vector_store %arg7[%swap3A_201, %swap3A_202], %swap3A_205 {add = true, strides = array<i32>} : memref<512x64xf32, #tpu.memory_space<vmem>>, vector<1x16xf32>,
          %add3A_206 = arith.constant 3 : i32
          %add3A_207 = arith.addi %mul3A_30, %add3A_206 : i32
          %get3A_208 = arith.index_cast %squeeze3A_172 : i32 to index
          %get3A_209 = arith.constant 48 : index
          %get3A_210 = tpu.vector_load %arg8[%get3A_208, %get3A_209] {strides = array<i32>} : memref<16x64xf32, #tpu.memory_space<vmem>>, vector<1x16xf32>,
          %get3A_211 = vector.shape_cast %get3A_210 : vector<1x16xf32> to vector<16xf32>
          %swap3A_212 = arith.index_cast %add3A_207 : i32 to index
          %swap3A_213 = arith.constant 48 : index
          %swap3A_214 = tpu.vector_load %arg7[%swap3A_212, %swap3A_213] {strides = array<i32>} : memref<512x64xf32, #tpu.memory_space<vmem>>, vector<1x16xf32>,
          %swap3A_215 = vector.shape_cast %swap3A_214 : vector<1x16xf32> to vector<16xf32>
          %swap3A_216 = vector.shape_cast %get3A_211 : vector<16xf32> to vector<1x16xf32>
          tpu.vector_store %arg7[%swap3A_212, %swap3A_213], %swap3A_216 {add = true, strides = array<i32>} : memref<512x64xf32, #tpu.memory_space<vmem>>, vector<1x16xf32>,
          %slice3A_217 = vector.extract_strided_slice %get3A_33 {offsets = [4], sizes = [1], strides = [1]} : vector<16xi32> to vector<1xi32>
          %squeeze3A_218 = vector.extract %slice3A_217[0] : i32 from vector<1xi32>
          %add3A_219 = arith.constant 4 : i32
          %add3A_220 = arith.addi %mul3A_30, %add3A_219 : i32
          %get3A_221 = arith.index_cast %squeeze3A_218 : i32 to index
          %get3A_222 = arith.constant 0 : index
          %get3A_223 = tpu.vector_load %arg8[%get3A_221, %get3A_222] {strides = array<i32>} : memref<16x64xf32, #tpu.memory_space<vmem>>, vector<1x16xf32>,
          %get3A_224 = vector.shape_cast %get3A_223 : vector<1x16xf32> to vector<16xf32>
          %swap3A_225 = arith.index_cast %add3A_220 : i32 to index
          %swap3A_226 = arith.constant 0 : index
          %swap3A_227 = tpu.vector_load %arg7[%swap3A_225, %swap3A_226] {strides = array<i32>} : memref<512x64xf32, #tpu.memory_space<vmem>>, vector<1x16xf32>,
          %swap3A_228 = vector.shape_cast %swap3A_227 : vector<1x16xf32> to vector<16xf32>
          %swap3A_229 = vector.shape_cast %get3A_224 : vector<16xf32> to vector<1x16xf32>
          tpu.vector_store %arg7[%swap3A_225, %swap3A_226], %swap3A_229 {add = true, strides = array<i32>} : memref<512x64xf32, #tpu.memory_space<vmem>>, vector<1x16xf32>,
          %add3A_230 = arith.constant 4 : i32
          %add3A_231 = arith.addi %mul3A_30, %add3A_230 : i32
          %get3A_232 = arith.index_cast %squeeze3A_218 : i32 to index
          %get3A_233 = arith.constant 16 : index
          %get3A_234 = tpu.vector_load %arg8[%get3A_232, %get3A_233] {strides = array<i32>} : memref<16x64xf32, #tpu.memory_space<vmem>>, vector<1x16xf32>,
          %get3A_235 = vector.shape_cast %get3A_234 : vector<1x16xf32> to vector<16xf32>
          %swap3A_236 = arith.index_cast %add3A_231 : i32 to index
          %swap3A_237 = arith.constant 16 : index
          %swap3A_238 = tpu.vector_load %arg7[%swap3A_236, %swap3A_237] {strides = array<i32>} : memref<512x64xf32, #tpu.memory_space<vmem>>, vector<1x16xf32>,
          %swap3A_239 = vector.shape_cast %swap3A_238 : vector<1x16xf32> to vector<16xf32>
          %swap3A_240 = vector.shape_cast %get3A_235 : vector<16xf32> to vector<1x16xf32>
          tpu.vector_store %arg7[%swap3A_236, %swap3A_237], %swap3A_240 {add = true, strides = array<i32>} : memref<512x64xf32, #tpu.memory_space<vmem>>, vector<1x16xf32>,
          %add3A_241 = arith.constant 4 : i32
          %add3A_242 = arith.addi %mul3A_30, %add3A_241 : i32
          %get3A_243 = arith.index_cast %squeeze3A_218 : i32 to index
          %get3A_244 = arith.constant 32 : index
          %get3A_245 = tpu.vector_load %arg8[%get3A_243, %get3A_244] {strides = array<i32>} : memref<16x64xf32, #tpu.memory_space<vmem>>, vector<1x16xf32>,
          %get3A_246 = vector.shape_cast %get3A_245 : vector<1x16xf32> to vector<16xf32>
          %swap3A_247 = arith.index_cast %add3A_242 : i32 to index
          %swap3A_248 = arith.constant 32 : index
          %swap3A_249 = tpu.vector_load %arg7[%swap3A_247, %swap3A_248] {strides = array<i32>} : memref<512x64xf32, #tpu.memory_space<vmem>>, vector<1x16xf32>,
          %swap3A_250 = vector.shape_cast %swap3A_249 : vector<1x16xf32> to vector<16xf32>
          %swap3A_251 = vector.shape_cast %get3A_246 : vector<16xf32> to vector<1x16xf32>
          tpu.vector_store %arg7[%swap3A_247, %swap3A_248], %swap3A_251 {add = true, strides = array<i32>} : memref<512x64xf32, #tpu.memory_space<vmem>>, vector<1x16xf32>,
          %add3A_252 = arith.constant 4 : i32
          %add3A_253 = arith.addi %mul3A_30, %add3A_252 : i32
          %get3A_254 = arith.index_cast %squeeze3A_218 : i32 to index
          %get3A_255 = arith.constant 48 : index
          %get3A_256 = tpu.vector_load %arg8[%get3A_254, %get3A_255] {strides = array<i32>} : memref<16x64xf32, #tpu.memory_space<vmem>>, vector<1x16xf32>,
          %get3A_257 = vector.shape_cast %get3A_256 : vector<1x16xf32> to vector<16xf32>
          %swap3A_258 = arith.index_cast %add3A_253 : i32 to index
          %swap3A_259 = arith.constant 48 : index
          %swap3A_260 = tpu.vector_load %arg7[%swap3A_258, %swap3A_259] {strides = array<i32>} : memref<512x64xf32, #tpu.memory_space<vmem>>, vector<1x16xf32>,
          %swap3A_261 = vector.shape_cast %swap3A_260 : vector<1x16xf32> to vector<16xf32>
          %swap3A_262 = vector.shape_cast %get3A_257 : vector<16xf32> to vector<1x16xf32>
          tpu.vector_store %arg7[%swap3A_258, %swap3A_259], %swap3A_262 {add = true, strides = array<i32>} : memref<512x64xf32, #tpu.memory_space<vmem>>, vector<1x16xf32>,
          %slice3A_263 = vector.extract_strided_slice %get3A_33 {offsets = [5], sizes = [1], strides = [1]} : vector<16xi32> to vector<1xi32>
          %squeeze3A_264 = vector.extract %slice3A_263[0] : i32 from vector<1xi32>
          %add3A_265 = arith.constant 5 : i32
          %add3A_266 = arith.addi %mul3A_30, %add3A_265 : i32
          %get3A_267 = arith.index_cast %squeeze3A_264 : i32 to index
          %get3A_268 = arith.constant 0 : index
          %get3A_269 = tpu.vector_load %arg8[%get3A_267, %get3A_268] {strides = array<i32>} : memref<16x64xf32, #tpu.memory_space<vmem>>, vector<1x16xf32>,
          %get3A_270 = vector.shape_cast %get3A_269 : vector<1x16xf32> to vector<16xf32>
          %swap3A_271 = arith.index_cast %add3A_266 : i32 to index
          %swap3A_272 = arith.constant 0 : index
          %swap3A_273 = tpu.vector_load %arg7[%swap3A_271, %swap3A_272] {strides = array<i32>} : memref<512x64xf32, #tpu.memory_space<vmem>>, vector<1x16xf32>,
          %swap3A_274 = vector.shape_cast %swap3A_273 : vector<1x16xf32> to vector<16xf32>
          %swap3A_275 = vector.shape_cast %get3A_270 : vector<16xf32> to vector<1x16xf32>
          tpu.vector_store %arg7[%swap3A_271, %swap3A_272], %swap3A_275 {add = true, strides = array<i32>} : memref<512x64xf32, #tpu.memory_space<vmem>>, vector<1x16xf32>,
          %add3A_276 = arith.constant 5 : i32
          %add3A_277 = arith.addi %mul3A_30, %add3A_276 : i32
          %get3A_278 = arith.index_cast %squeeze3A_264 : i32 to index
          %get3A_279 = arith.constant 16 : index
          %get3A_280 = tpu.vector_load %arg8[%get3A_278, %get3A_279] {strides = array<i32>} : memref<16x64xf32, #tpu.memory_space<vmem>>, vector<1x16xf32>,
          %get3A_281 = vector.shape_cast %get3A_280 : vector<1x16xf32> to vector<16xf32>
          %swap3A_282 = arith.index_cast %add3A_277 : i32 to index
          %swap3A_283 = arith.constant 16 : index
          %swap3A_284 = tpu.vector_load %arg7[%swap3A_282, %swap3A_283] {strides = array<i32>} : memref<512x64xf32, #tpu.memory_space<vmem>>, vector<1x16xf32>,
          %swap3A_285 = vector.shape_cast %swap3A_284 : vector<1x16xf32> to vector<16xf32>
          %swap3A_286 = vector.shape_cast %get3A_281 : vector<16xf32> to vector<1x16xf32>
          tpu.vector_store %arg7[%swap3A_282, %swap3A_283], %swap3A_286 {add = true, strides = array<i32>} : memref<512x64xf32, #tpu.memory_space<vmem>>, vector<1x16xf32>,
          %add3A_287 = arith.constant 5 : i32
          %add3A_288 = arith.addi %mul3A_30, %add3A_287 : i32
          %get3A_289 = arith.index_cast %squeeze3A_264 : i32 to index
          %get3A_290 = arith.constant 32 : index
          %get3A_291 = tpu.vector_load %arg8[%get3A_289, %get3A_290] {strides = array<i32>} : memref<16x64xf32, #tpu.memory_space<vmem>>, vector<1x16xf32>,
          %get3A_292 = vector.shape_cast %get3A_291 : vector<1x16xf32> to vector<16xf32>
          %swap3A_293 = arith.index_cast %add3A_288 : i32 to index
          %swap3A_294 = arith.constant 32 : index
          %swap3A_295 = tpu.vector_load %arg7[%swap3A_293, %swap3A_294] {strides = array<i32>} : memref<512x64xf32, #tpu.memory_space<vmem>>, vector<1x16xf32>,
          %swap3A_296 = vector.shape_cast %swap3A_295 : vector<1x16xf32> to vector<16xf32>
          %swap3A_297 = vector.shape_cast %get3A_292 : vector<16xf32> to vector<1x16xf32>
          tpu.vector_store %arg7[%swap3A_293, %swap3A_294], %swap3A_297 {add = true, strides = array<i32>} : memref<512x64xf32, #tpu.memory_space<vmem>>, vector<1x16xf32>,
          %add3A_298 = arith.constant 5 : i32
          %add3A_299 = arith.addi %mul3A_30, %add3A_298 : i32
          %get3A_300 = arith.index_cast %squeeze3A_264 : i32 to index
          %get3A_301 = arith.constant 48 : index
          %get3A_302 = tpu.vector_load %arg8[%get3A_300, %get3A_301] {strides = array<i32>} : memref<16x64xf32, #tpu.memory_space<vmem>>, vector<1x16xf32>,
          %get3A_303 = vector.shape_cast %get3A_302 : vector<1x16xf32> to vector<16xf32>
          %swap3A_304 = arith.index_cast %add3A_299 : i32 to index
          %swap3A_305 = arith.constant 48 : index
          %swap3A_306 = tpu.vector_load %arg7[%swap3A_304, %swap3A_305] {strides = array<i32>} : memref<512x64xf32, #tpu.memory_space<vmem>>, vector<1x16xf32>,
          %swap3A_307 = vector.shape_cast %swap3A_306 : vector<1x16xf32> to vector<16xf32>
          %swap3A_308 = vector.shape_cast %get3A_303 : vector<16xf32> to vector<1x16xf32>
          tpu.vector_store %arg7[%swap3A_304, %swap3A_305], %swap3A_308 {add = true, strides = array<i32>} : memref<512x64xf32, #tpu.memory_space<vmem>>, vector<1x16xf32>,
          %slice3A_309 = vector.extract_strided_slice %get3A_33 {offsets = [6], sizes = [1], strides = [1]} : vector<16xi32> to vector<1xi32>
          %squeeze3A_310 = vector.extract %slice3A_309[0] : i32 from vector<1xi32>
          %add3A_311 = arith.constant 6 : i32
          %add3A_312 = arith.addi %mul3A_30, %add3A_311 : i32
          %get3A_313 = arith.index_cast %squeeze3A_310 : i32 to index
          %get3A_314 = arith.constant 0 : index
          %get3A_315 = tpu.vector_load %arg8[%get3A_313, %get3A_314] {strides = array<i32>} : memref<16x64xf32, #tpu.memory_space<vmem>>, vector<1x16xf32>,
          %get3A_316 = vector.shape_cast %get3A_315 : vector<1x16xf32> to vector<16xf32>
          %swap3A_317 = arith.index_cast %add3A_312 : i32 to index
          %swap3A_318 = arith.constant 0 : index
          %swap3A_319 = tpu.vector_load %arg7[%swap3A_317, %swap3A_318] {strides = array<i32>} : memref<512x64xf32, #tpu.memory_space<vmem>>, vector<1x16xf32>,
          %swap3A_320 = vector.shape_cast %swap3A_319 : vector<1x16xf32> to vector<16xf32>
          %swap3A_321 = vector.shape_cast %get3A_316 : vector<16xf32> to vector<1x16xf32>
          tpu.vector_store %arg7[%swap3A_317, %swap3A_318], %swap3A_321 {add = true, strides = array<i32>} : memref<512x64xf32, #tpu.memory_space<vmem>>, vector<1x16xf32>,
          %add3A_322 = arith.constant 6 : i32
          %add3A_323 = arith.addi %mul3A_30, %add3A_322 : i32
          %get3A_324 = arith.index_cast %squeeze3A_310 : i32 to index
          %get3A_325 = arith.constant 16 : index
          %get3A_326 = tpu.vector_load %arg8[%get3A_324, %get3A_325] {strides = array<i32>} : memref<16x64xf32, #tpu.memory_space<vmem>>, vector<1x16xf32>,
          %get3A_327 = vector.shape_cast %get3A_326 : vector<1x16xf32> to vector<16xf32>
          %swap3A_328 = arith.index_cast %add3A_323 : i32 to index
          %swap3A_329 = arith.constant 16 : index
          %swap3A_330 = tpu.vector_load %arg7[%swap3A_328, %swap3A_329] {strides = array<i32>} : memref<512x64xf32, #tpu.memory_space<vmem>>, vector<1x16xf32>,
          %swap3A_331 = vector.shape_cast %swap3A_330 : vector<1x16xf32> to vector<16xf32>
          %swap3A_332 = vector.shape_cast %get3A_327 : vector<16xf32> to vector<1x16xf32>
          tpu.vector_store %arg7[%swap3A_328, %swap3A_329], %swap3A_332 {add = true, strides = array<i32>} : memref<512x64xf32, #tpu.memory_space<vmem>>, vector<1x16xf32>,
          %add3A_333 = arith.constant 6 : i32
          %add3A_334 = arith.addi %mul3A_30, %add3A_333 : i32
          %get3A_335 = arith.index_cast %squeeze3A_310 : i32 to index
          %get3A_336 = arith.constant 32 : index
          %get3A_337 = tpu.vector_load %arg8[%get3A_335, %get3A_336] {strides = array<i32>} : memref<16x64xf32, #tpu.memory_space<vmem>>, vector<1x16xf32>,
          %get3A_338 = vector.shape_cast %get3A_337 : vector<1x16xf32> to vector<16xf32>
          %swap3A_339 = arith.index_cast %add3A_334 : i32 to index
          %swap3A_340 = arith.constant 32 : index
          %swap3A_341 = tpu.vector_load %arg7[%swap3A_339, %swap3A_340] {strides = array<i32>} : memref<512x64xf32, #tpu.memory_space<vmem>>, vector<1x16xf32>,
          %swap3A_342 = vector.shape_cast %swap3A_341 : vector<1x16xf32> to vector<16xf32>
          %swap3A_343 = vector.shape_cast %get3A_338 : vector<16xf32> to vector<1x16xf32>
          tpu.vector_store %arg7[%swap3A_339, %swap3A_340], %swap3A_343 {add = true, strides = array<i32>} : memref<512x64xf32, #tpu.memory_space<vmem>>, vector<1x16xf32>,
          %add3A_344 = arith.constant 6 : i32
          %add3A_345 = arith.addi %mul3A_30, %add3A_344 : i32
          %get3A_346 = arith.index_cast %squeeze3A_310 : i32 to index
          %get3A_347 = arith.constant 48 : index
          %get3A_348 = tpu.vector_load %arg8[%get3A_346, %get3A_347] {strides = array<i32>} : memref<16x64xf32, #tpu.memory_space<vmem>>, vector<1x16xf32>,
          %get3A_349 = vector.shape_cast %get3A_348 : vector<1x16xf32> to vector<16xf32>
          %swap3A_350 = arith.index_cast %add3A_345 : i32 to index
          %swap3A_351 = arith.constant 48 : index
          %swap3A_352 = tpu.vector_load %arg7[%swap3A_350, %swap3A_351] {strides = array<i32>} : memref<512x64xf32, #tpu.memory_space<vmem>>, vector<1x16xf32>,
          %swap3A_353 = vector.shape_cast %swap3A_352 : vector<1x16xf32> to vector<16xf32>
          %swap3A_354 = vector.shape_cast %get3A_349 : vector<16xf32> to vector<1x16xf32>
          tpu.vector_store %arg7[%swap3A_350, %swap3A_351], %swap3A_354 {add = true, strides = array<i32>} : memref<512x64xf32, #tpu.memory_space<vmem>>, vector<1x16xf32>,
          %slice3A_355 = vector.extract_strided_slice %get3A_33 {offsets = [7], sizes = [1], strides = [1]} : vector<16xi32> to vector<1xi32>
          %squeeze3A_356 = vector.extract %slice3A_355[0] : i32 from vector<1xi32>
          %add3A_357 = arith.constant 7 : i32
          %add3A_358 = arith.addi %mul3A_30, %add3A_357 : i32
          %get3A_359 = arith.index_cast %squeeze3A_356 : i32 to index
          %get3A_360 = arith.constant 0 : index
          %get3A_361 = tpu.vector_load %arg8[%get3A_359, %get3A_360] {strides = array<i32>} : memref<16x64xf32, #tpu.memory_space<vmem>>, vector<1x16xf32>,
          %get3A_362 = vector.shape_cast %get3A_361 : vector<1x16xf32> to vector<16xf32>
          %swap3A_363 = arith.index_cast %add3A_358 : i32 to index
          %swap3A_364 = arith.constant 0 : index
          %swap3A_365 = tpu.vector_load %arg7[%swap3A_363, %swap3A_364] {strides = array<i32>} : memref<512x64xf32, #tpu.memory_space<vmem>>, vector<1x16xf32>,
          %swap3A_366 = vector.shape_cast %swap3A_365 : vector<1x16xf32> to vector<16xf32>
          %swap3A_367 = vector.shape_cast %get3A_362 : vector<16xf32> to vector<1x16xf32>
          tpu.vector_store %arg7[%swap3A_363, %swap3A_364], %swap3A_367 {add = true, strides = array<i32>} : memref<512x64xf32, #tpu.memory_space<vmem>>, vector<1x16xf32>,
          %add3A_368 = arith.constant 7 : i32
          %add3A_369 = arith.addi %mul3A_30, %add3A_368 : i32
          %get3A_370 = arith.index_cast %squeeze3A_356 : i32 to index
          %get3A_371 = arith.constant 16 : index
          %get3A_372 = tpu.vector_load %arg8[%get3A_370, %get3A_371] {strides = array<i32>} : memref<16x64xf32, #tpu.memory_space<vmem>>, vector<1x16xf32>,
          %get3A_373 = vector.shape_cast %get3A_372 : vector<1x16xf32> to vector<16xf32>
          %swap3A_374 = arith.index_cast %add3A_369 : i32 to index
          %swap3A_375 = arith.constant 16 : index
          %swap3A_376 = tpu.vector_load %arg7[%swap3A_374, %swap3A_375] {strides = array<i32>} : memref<512x64xf32, #tpu.memory_space<vmem>>, vector<1x16xf32>,
          %swap3A_377 = vector.shape_cast %swap3A_376 : vector<1x16xf32> to vector<16xf32>
          %swap3A_378 = vector.shape_cast %get3A_373 : vector<16xf32> to vector<1x16xf32>
          tpu.vector_store %arg7[%swap3A_374, %swap3A_375], %swap3A_378 {add = true, strides = array<i32>} : memref<512x64xf32, #tpu.memory_space<vmem>>, vector<1x16xf32>,
          %add3A_379 = arith.constant 7 : i32
          %add3A_380 = arith.addi %mul3A_30, %add3A_379 : i32
          %get3A_381 = arith.index_cast %squeeze3A_356 : i32 to index
          %get3A_382 = arith.constant 32 : index
          %get3A_383 = tpu.vector_load %arg8[%get3A_381, %get3A_382] {strides = array<i32>} : memref<16x64xf32, #tpu.memory_space<vmem>>, vector<1x16xf32>,
          %get3A_384 = vector.shape_cast %get3A_383 : vector<1x16xf32> to vector<16xf32>
          %swap3A_385 = arith.index_cast %add3A_380 : i32 to index
          %swap3A_386 = arith.constant 32 : index
          %swap3A_387 = tpu.vector_load %arg7[%swap3A_385, %swap3A_386] {strides = array<i32>} : memref<512x64xf32, #tpu.memory_space<vmem>>, vector<1x16xf32>,
          %swap3A_388 = vector.shape_cast %swap3A_387 : vector<1x16xf32> to vector<16xf32>
          %swap3A_389 = vector.shape_cast %get3A_384 : vector<16xf32> to vector<1x16xf32>
          tpu.vector_store %arg7[%swap3A_385, %swap3A_386], %swap3A_389 {add = true, strides = array<i32>} : memref<512x64xf32, #tpu.memory_space<vmem>>, vector<1x16xf32>,
          %add3A_390 = arith.constant 7 : i32
          %add3A_391 = arith.addi %mul3A_30, %add3A_390 : i32
          %get3A_392 = arith.index_cast %squeeze3A_356 : i32 to index
          %get3A_393 = arith.constant 48 : index
          %get3A_394 = tpu.vector_load %arg8[%get3A_392, %get3A_393] {strides = array<i32>} : memref<16x64xf32, #tpu.memory_space<vmem>>, vector<1x16xf32>,
          %get3A_395 = vector.shape_cast %get3A_394 : vector<1x16xf32> to vector<16xf32>
          %swap3A_396 = arith.index_cast %add3A_391 : i32 to index
          %swap3A_397 = arith.constant 48 : index
          %swap3A_398 = tpu.vector_load %arg7[%swap3A_396, %swap3A_397] {strides = array<i32>} : memref<512x64xf32, #tpu.memory_space<vmem>>, vector<1x16xf32>,
          %swap3A_399 = vector.shape_cast %swap3A_398 : vector<1x16xf32> to vector<16xf32>
          %swap3A_400 = vector.shape_cast %get3A_395 : vector<16xf32> to vector<1x16xf32>
          tpu.vector_store %arg7[%swap3A_396, %swap3A_397], %swap3A_400 {add = true, strides = array<i32>} : memref<512x64xf32, #tpu.memory_space<vmem>>, vector<1x16xf32>,
          %slice3A_401 = vector.extract_strided_slice %get3A_33 {offsets = [8], sizes = [1], strides = [1]} : vector<16xi32> to vector<1xi32>
          %squeeze3A_402 = vector.extract %slice3A_401[0] : i32 from vector<1xi32>
          %add3A_403 = arith.constant 8 : i32
          %add3A_404 = arith.addi %mul3A_30, %add3A_403 : i32
          %get3A_405 = arith.index_cast %squeeze3A_402 : i32 to index
          %get3A_406 = arith.constant 0 : index
          %get3A_407 = tpu.vector_load %arg8[%get3A_405, %get3A_406] {strides = array<i32>} : memref<16x64xf32, #tpu.memory_space<vmem>>, vector<1x16xf32>,
          %get3A_408 = vector.shape_cast %get3A_407 : vector<1x16xf32> to vector<16xf32>
          %swap3A_409 = arith.index_cast %add3A_404 : i32 to index
          %swap3A_410 = arith.constant 0 : index
          %swap3A_411 = tpu.vector_load %arg7[%swap3A_409, %swap3A_410] {strides = array<i32>} : memref<512x64xf32, #tpu.memory_space<vmem>>, vector<1x16xf32>,
          %swap3A_412 = vector.shape_cast %swap3A_411 : vector<1x16xf32> to vector<16xf32>
          %swap3A_413 = vector.shape_cast %get3A_408 : vector<16xf32> to vector<1x16xf32>
          tpu.vector_store %arg7[%swap3A_409, %swap3A_410], %swap3A_413 {add = true, strides = array<i32>} : memref<512x64xf32, #tpu.memory_space<vmem>>, vector<1x16xf32>,
          %add3A_414 = arith.constant 8 : i32
          %add3A_415 = arith.addi %mul3A_30, %add3A_414 : i32
          %get3A_416 = arith.index_cast %squeeze3A_402 : i32 to index
          %get3A_417 = arith.constant 16 : index
          %get3A_418 = tpu.vector_load %arg8[%get3A_416, %get3A_417] {strides = array<i32>} : memref<16x64xf32, #tpu.memory_space<vmem>>, vector<1x16xf32>,
          %get3A_419 = vector.shape_cast %get3A_418 : vector<1x16xf32> to vector<16xf32>
          %swap3A_420 = arith.index_cast %add3A_415 : i32 to index
          %swap3A_421 = arith.constant 16 : index
          %swap3A_422 = tpu.vector_load %arg7[%swap3A_420, %swap3A_421] {strides = array<i32>} : memref<512x64xf32, #tpu.memory_space<vmem>>, vector<1x16xf32>,
          %swap3A_423 = vector.shape_cast %swap3A_422 : vector<1x16xf32> to vector<16xf32>
          %swap3A_424 = vector.shape_cast %get3A_419 : vector<16xf32> to vector<1x16xf32>
          tpu.vector_store %arg7[%swap3A_420, %swap3A_421], %swap3A_424 {add = true, strides = array<i32>} : memref<512x64xf32, #tpu.memory_space<vmem>>, vector<1x16xf32>,
          %add3A_425 = arith.constant 8 : i32
          %add3A_426 = arith.addi %mul3A_30, %add3A_425 : i32
          %get3A_427 = arith.index_cast %squeeze3A_402 : i32 to index
          %get3A_428 = arith.constant 32 : index
          %get3A_429 = tpu.vector_load %arg8[%get3A_427, %get3A_428] {strides = array<i32>} : memref<16x64xf32, #tpu.memory_space<vmem>>, vector<1x16xf32>,
          %get3A_430 = vector.shape_cast %get3A_429 : vector<1x16xf32> to vector<16xf32>
          %swap3A_431 = arith.index_cast %add3A_426 : i32 to index
          %swap3A_432 = arith.constant 32 : index
          %swap3A_433 = tpu.vector_load %arg7[%swap3A_431, %swap3A_432] {strides = array<i32>} : memref<512x64xf32, #tpu.memory_space<vmem>>, vector<1x16xf32>,
          %swap3A_434 = vector.shape_cast %swap3A_433 : vector<1x16xf32> to vector<16xf32>
          %swap3A_435 = vector.shape_cast %get3A_430 : vector<16xf32> to vector<1x16xf32>
          tpu.vector_store %arg7[%swap3A_431, %swap3A_432], %swap3A_435 {add = true, strides = array<i32>} : memref<512x64xf32, #tpu.memory_space<vmem>>, vector<1x16xf32>,
          %add3A_436 = arith.constant 8 : i32
          %add3A_437 = arith.addi %mul3A_30, %add3A_436 : i32
          %get3A_438 = arith.index_cast %squeeze3A_402 : i32 to index
          %get3A_439 = arith.constant 48 : index
          %get3A_440 = tpu.vector_load %arg8[%get3A_438, %get3A_439] {strides = array<i32>} : memref<16x64xf32, #tpu.memory_space<vmem>>, vector<1x16xf32>,
          %get3A_441 = vector.shape_cast %get3A_440 : vector<1x16xf32> to vector<16xf32>
          %swap3A_442 = arith.index_cast %add3A_437 : i32 to index
          %swap3A_443 = arith.constant 48 : index
          %swap3A_444 = tpu.vector_load %arg7[%swap3A_442, %swap3A_443] {strides = array<i32>} : memref<512x64xf32, #tpu.memory_space<vmem>>, vector<1x16xf32>,
          %swap3A_445 = vector.shape_cast %swap3A_444 : vector<1x16xf32> to vector<16xf32>
          %swap3A_446 = vector.shape_cast %get3A_441 : vector<16xf32> to vector<1x16xf32>
          tpu.vector_store %arg7[%swap3A_442, %swap3A_443], %swap3A_446 {add = true, strides = array<i32>} : memref<512x64xf32, #tpu.memory_space<vmem>>, vector<1x16xf32>,
          %slice3A_447 = vector.extract_strided_slice %get3A_33 {offsets = [9], sizes = [1], strides = [1]} : vector<16xi32> to vector<1xi32>
          %squeeze3A_448 = vector.extract %slice3A_447[0] : i32 from vector<1xi32>
          %add3A_449 = arith.constant 9 : i32
          %add3A_450 = arith.addi %mul3A_30, %add3A_449 : i32
          %get3A_451 = arith.index_cast %squeeze3A_448 : i32 to index
          %get3A_452 = arith.constant 0 : index
          %get3A_453 = tpu.vector_load %arg8[%get3A_451, %get3A_452] {strides = array<i32>} : memref<16x64xf32, #tpu.memory_space<vmem>>, vector<1x16xf32>,
          %get3A_454 = vector.shape_cast %get3A_453 : vector<1x16xf32> to vector<16xf32>
          %swap3A_455 = arith.index_cast %add3A_450 : i32 to index
          %swap3A_456 = arith.constant 0 : index
          %swap3A_457 = tpu.vector_load %arg7[%swap3A_455, %swap3A_456] {strides = array<i32>} : memref<512x64xf32, #tpu.memory_space<vmem>>, vector<1x16xf32>,
          %swap3A_458 = vector.shape_cast %swap3A_457 : vector<1x16xf32> to vector<16xf32>
          %swap3A_459 = vector.shape_cast %get3A_454 : vector<16xf32> to vector<1x16xf32>
          tpu.vector_store %arg7[%swap3A_455, %swap3A_456], %swap3A_459 {add = true, strides = array<i32>} : memref<512x64xf32, #tpu.memory_space<vmem>>, vector<1x16xf32>,
          %add3A_460 = arith.constant 9 : i32
          %add3A_461 = arith.addi %mul3A_30, %add3A_460 : i32
          %get3A_462 = arith.index_cast %squeeze3A_448 : i32 to index
          %get3A_463 = arith.constant 16 : index
          %get3A_464 = tpu.vector_load %arg8[%get3A_462, %get3A_463] {strides = array<i32>} : memref<16x64xf32, #tpu.memory_space<vmem>>, vector<1x16xf32>,
          %get3A_465 = vector.shape_cast %get3A_464 : vector<1x16xf32> to vector<16xf32>
          %swap3A_466 = arith.index_cast %add3A_461 : i32 to index
          %swap3A_467 = arith.constant 16 : index
          %swap3A_468 = tpu.vector_load %arg7[%swap3A_466, %swap3A_467] {strides = array<i32>} : memref<512x64xf32, #tpu.memory_space<vmem>>, vector<1x16xf32>,
          %swap3A_469 = vector.shape_cast %swap3A_468 : vector<1x16xf32> to vector<16xf32>
          %swap3A_470 = vector.shape_cast %get3A_465 : vector<16xf32> to vector<1x16xf32>
          tpu.vector_store %arg7[%swap3A_466, %swap3A_467], %swap3A_470 {add = true, strides = array<i32>} : memref<512x64xf32, #tpu.memory_space<vmem>>, vector<1x16xf32>,
          %add3A_471 = arith.constant 9 : i32
          %add3A_472 = arith.addi %mul3A_30, %add3A_471 : i32
          %get3A_473 = arith.index_cast %squeeze3A_448 : i32 to index
          %get3A_474 = arith.constant 32 : index
          %get3A_475 = tpu.vector_load %arg8[%get3A_473, %get3A_474] {strides = array<i32>} : memref<16x64xf32, #tpu.memory_space<vmem>>, vector<1x16xf32>,
          %get3A_476 = vector.shape_cast %get3A_475 : vector<1x16xf32> to vector<16xf32>
          %swap3A_477 = arith.index_cast %add3A_472 : i32 to index
          %swap3A_478 = arith.constant 32 : index
          %swap3A_479 = tpu.vector_load %arg7[%swap3A_477, %swap3A_478] {strides = array<i32>} : memref<512x64xf32, #tpu.memory_space<vmem>>, vector<1x16xf32>,
          %swap3A_480 = vector.shape_cast %swap3A_479 : vector<1x16xf32> to vector<16xf32>
          %swap3A_481 = vector.shape_cast %get3A_476 : vector<16xf32> to vector<1x16xf32>
          tpu.vector_store %arg7[%swap3A_477, %swap3A_478], %swap3A_481 {add = true, strides = array<i32>} : memref<512x64xf32, #tpu.memory_space<vmem>>, vector<1x16xf32>,
          %add3A_482 = arith.constant 9 : i32
          %add3A_483 = arith.addi %mul3A_30, %add3A_482 : i32
          %get3A_484 = arith.index_cast %squeeze3A_448 : i32 to index
          %get3A_485 = arith.constant 48 : index
          %get3A_486 = tpu.vector_load %arg8[%get3A_484, %get3A_485] {strides = array<i32>} : memref<16x64xf32, #tpu.memory_space<vmem>>, vector<1x16xf32>,
          %get3A_487 = vector.shape_cast %get3A_486 : vector<1x16xf32> to vector<16xf32>
          %swap3A_488 = arith.index_cast %add3A_483 : i32 to index
          %swap3A_489 = arith.constant 48 : index
          %swap3A_490 = tpu.vector_load %arg7[%swap3A_488, %swap3A_489] {strides = array<i32>} : memref<512x64xf32, #tpu.memory_space<vmem>>, vector<1x16xf32>,
          %swap3A_491 = vector.shape_cast %swap3A_490 : vector<1x16xf32> to vector<16xf32>
          %swap3A_492 = vector.shape_cast %get3A_487 : vector<16xf32> to vector<1x16xf32>
          tpu.vector_store %arg7[%swap3A_488, %swap3A_489], %swap3A_492 {add = true, strides = array<i32>} : memref<512x64xf32, #tpu.memory_space<vmem>>, vector<1x16xf32>,
          %slice3A_493 = vector.extract_strided_slice %get3A_33 {offsets = [10], sizes = [1], strides = [1]} : vector<16xi32> to vector<1xi32>
          %squeeze3A_494 = vector.extract %slice3A_493[0] : i32 from vector<1xi32>
          %add3A_495 = arith.constant 10 : i32
          %add3A_496 = arith.addi %mul3A_30, %add3A_495 : i32
          %get3A_497 = arith.index_cast %squeeze3A_494 : i32 to index
          %get3A_498 = arith.constant 0 : index
          %get3A_499 = tpu.vector_load %arg8[%get3A_497, %get3A_498] {strides = array<i32>} : memref<16x64xf32, #tpu.memory_space<vmem>>, vector<1x16xf32>,
          %get3A_500 = vector.shape_cast %get3A_499 : vector<1x16xf32> to vector<16xf32>
          %swap3A_501 = arith.index_cast %add3A_496 : i32 to index
          %swap3A_502 = arith.constant 0 : index
          %swap3A_503 = tpu.vector_load %arg7[%swap3A_501, %swap3A_502] {strides = array<i32>} : memref<512x64xf32, #tpu.memory_space<vmem>>, vector<1x16xf32>,
          %swap3A_504 = vector.shape_cast %swap3A_503 : vector<1x16xf32> to vector<16xf32>
          %swap3A_505 = vector.shape_cast %get3A_500 : vector<16xf32> to vector<1x16xf32>
          tpu.vector_store %arg7[%swap3A_501, %swap3A_502], %swap3A_505 {add = true, strides = array<i32>} : memref<512x64xf32, #tpu.memory_space<vmem>>, vector<1x16xf32>,
          %add3A_506 = arith.constant 10 : i32
          %add3A_507 = arith.addi %mul3A_30, %add3A_506 : i32
          %get3A_508 = arith.index_cast %squeeze3A_494 : i32 to index
          %get3A_509 = arith.constant 16 : index
          %get3A_510 = tpu.vector_load %arg8[%get3A_508, %get3A_509] {strides = array<i32>} : memref<16x64xf32, #tpu.memory_space<vmem>>, vector<1x16xf32>,
          %get3A_511 = vector.shape_cast %get3A_510 : vector<1x16xf32> to vector<16xf32>
          %swap3A_512 = arith.index_cast %add3A_507 : i32 to index
          %swap3A_513 = arith.constant 16 : index
          %swap3A_514 = tpu.vector_load %arg7[%swap3A_512, %swap3A_513] {strides = array<i32>} : memref<512x64xf32, #tpu.memory_space<vmem>>, vector<1x16xf32>,
          %swap3A_515 = vector.shape_cast %swap3A_514 : vector<1x16xf32> to vector<16xf32>
          %swap3A_516 = vector.shape_cast %get3A_511 : vector<16xf32> to vector<1x16xf32>
          tpu.vector_store %arg7[%swap3A_512, %swap3A_513], %swap3A_516 {add = true, strides = array<i32>} : memref<512x64xf32, #tpu.memory_space<vmem>>, vector<1x16xf32>,
          %add3A_517 = arith.constant 10 : i32
          %add3A_518 = arith.addi %mul3A_30, %add3A_517 : i32
          %get3A_519 = arith.index_cast %squeeze3A_494 : i32 to index
          %get3A_520 = arith.constant 32 : index
          %get3A_521 = tpu.vector_load %arg8[%get3A_519, %get3A_520] {strides = array<i32>} : memref<16x64xf32, #tpu.memory_space<vmem>>, vector<1x16xf32>,
          %get3A_522 = vector.shape_cast %get3A_521 : vector<1x16xf32> to vector<16xf32>
          %swap3A_523 = arith.index_cast %add3A_518 : i32 to index
          %swap3A_524 = arith.constant 32 : index
          %swap3A_525 = tpu.vector_load %arg7[%swap3A_523, %swap3A_524] {strides = array<i32>} : memref<512x64xf32, #tpu.memory_space<vmem>>, vector<1x16xf32>,
          %swap3A_526 = vector.shape_cast %swap3A_525 : vector<1x16xf32> to vector<16xf32>
          %swap3A_527 = vector.shape_cast %get3A_522 : vector<16xf32> to vector<1x16xf32>
          tpu.vector_store %arg7[%swap3A_523, %swap3A_524], %swap3A_527 {add = true, strides = array<i32>} : memref<512x64xf32, #tpu.memory_space<vmem>>, vector<1x16xf32>,
          %add3A_528 = arith.constant 10 : i32
          %add3A_529 = arith.addi %mul3A_30, %add3A_528 : i32
          %get3A_530 = arith.index_cast %squeeze3A_494 : i32 to index
          %get3A_531 = arith.constant 48 : index
          %get3A_532 = tpu.vector_load %arg8[%get3A_530, %get3A_531] {strides = array<i32>} : memref<16x64xf32, #tpu.memory_space<vmem>>, vector<1x16xf32>,
          %get3A_533 = vector.shape_cast %get3A_532 : vector<1x16xf32> to vector<16xf32>
          %swap3A_534 = arith.index_cast %add3A_529 : i32 to index
          %swap3A_535 = arith.constant 48 : index
          %swap3A_536 = tpu.vector_load %arg7[%swap3A_534, %swap3A_535] {strides = array<i32>} : memref<512x64xf32, #tpu.memory_space<vmem>>, vector<1x16xf32>,
          %swap3A_537 = vector.shape_cast %swap3A_536 : vector<1x16xf32> to vector<16xf32>
          %swap3A_538 = vector.shape_cast %get3A_533 : vector<16xf32> to vector<1x16xf32>
          tpu.vector_store %arg7[%swap3A_534, %swap3A_535], %swap3A_538 {add = true, strides = array<i32>} : memref<512x64xf32, #tpu.memory_space<vmem>>, vector<1x16xf32>,
          %slice3A_539 = vector.extract_strided_slice %get3A_33 {offsets = [11], sizes = [1], strides = [1]} : vector<16xi32> to vector<1xi32>
          %squeeze3A_540 = vector.extract %slice3A_539[0] : i32 from vector<1xi32>
          %add3A_541 = arith.constant 11 : i32
          %add3A_542 = arith.addi %mul3A_30, %add3A_541 : i32
          %get3A_543 = arith.index_cast %squeeze3A_540 : i32 to index
          %get3A_544 = arith.constant 0 : index
          %get3A_545 = tpu.vector_load %arg8[%get3A_543, %get3A_544] {strides = array<i32>} : memref<16x64xf32, #tpu.memory_space<vmem>>, vector<1x16xf32>,
          %get3A_546 = vector.shape_cast %get3A_545 : vector<1x16xf32> to vector<16xf32>
          %swap3A_547 = arith.index_cast %add3A_542 : i32 to index
          %swap3A_548 = arith.constant 0 : index
          %swap3A_549 = tpu.vector_load %arg7[%swap3A_547, %swap3A_548] {strides = array<i32>} : memref<512x64xf32, #tpu.memory_space<vmem>>, vector<1x16xf32>,
          %swap3A_550 = vector.shape_cast %swap3A_549 : vector<1x16xf32> to vector<16xf32>
          %swap3A_551 = vector.shape_cast %get3A_546 : vector<16xf32> to vector<1x16xf32>
          tpu.vector_store %arg7[%swap3A_547, %swap3A_548], %swap3A_551 {add = true, strides = array<i32>} : memref<512x64xf32, #tpu.memory_space<vmem>>, vector<1x16xf32>,
          %add3A_552 = arith.constant 11 : i32
          %add3A_553 = arith.addi %mul3A_30, %add3A_552 : i32
          %get3A_554 = arith.index_cast %squeeze3A_540 : i32 to index
          %get3A_555 = arith.constant 16 : index
          %get3A_556 = tpu.vector_load %arg8[%get3A_554, %get3A_555] {strides = array<i32>} : memref<16x64xf32, #tpu.memory_space<vmem>>, vector<1x16xf32>,
          %get3A_557 = vector.shape_cast %get3A_556 : vector<1x16xf32> to vector<16xf32>
          %swap3A_558 = arith.index_cast %add3A_553 : i32 to index
          %swap3A_559 = arith.constant 16 : index
          %swap3A_560 = tpu.vector_load %arg7[%swap3A_558, %swap3A_559] {strides = array<i32>} : memref<512x64xf32, #tpu.memory_space<vmem>>, vector<1x16xf32>,
          %swap3A_561 = vector.shape_cast %swap3A_560 : vector<1x16xf32> to vector<16xf32>
          %swap3A_562 = vector.shape_cast %get3A_557 : vector<16xf32> to vector<1x16xf32>
          tpu.vector_store %arg7[%swap3A_558, %swap3A_559], %swap3A_562 {add = true, strides = array<i32>} : memref<512x64xf32, #tpu.memory_space<vmem>>, vector<1x16xf32>,
          %add3A_563 = arith.constant 11 : i32
          %add3A_564 = arith.addi %mul3A_30, %add3A_563 : i32
          %get3A_565 = arith.index_cast %squeeze3A_540 : i32 to index
          %get3A_566 = arith.constant 32 : index
          %get3A_567 = tpu.vector_load %arg8[%get3A_565, %get3A_566] {strides = array<i32>} : memref<16x64xf32, #tpu.memory_space<vmem>>, vector<1x16xf32>,
          %get3A_568 = vector.shape_cast %get3A_567 : vector<1x16xf32> to vector<16xf32>
          %swap3A_569 = arith.index_cast %add3A_564 : i32 to index
          %swap3A_570 = arith.constant 32 : index
          %swap3A_571 = tpu.vector_load %arg7[%swap3A_569, %swap3A_570] {strides = array<i32>} : memref<512x64xf32, #tpu.memory_space<vmem>>, vector<1x16xf32>,
          %swap3A_572 = vector.shape_cast %swap3A_571 : vector<1x16xf32> to vector<16xf32>
          %swap3A_573 = vector.shape_cast %get3A_568 : vector<16xf32> to vector<1x16xf32>
          tpu.vector_store %arg7[%swap3A_569, %swap3A_570], %swap3A_573 {add = true, strides = array<i32>} : memref<512x64xf32, #tpu.memory_space<vmem>>, vector<1x16xf32>,
          %add3A_574 = arith.constant 11 : i32
          %add3A_575 = arith.addi %mul3A_30, %add3A_574 : i32
          %get3A_576 = arith.index_cast %squeeze3A_540 : i32 to index
          %get3A_577 = arith.constant 48 : index
          %get3A_578 = tpu.vector_load %arg8[%get3A_576, %get3A_577] {strides = array<i32>} : memref<16x64xf32, #tpu.memory_space<vmem>>, vector<1x16xf32>,
          %get3A_579 = vector.shape_cast %get3A_578 : vector<1x16xf32> to vector<16xf32>
          %swap3A_580 = arith.index_cast %add3A_575 : i32 to index
          %swap3A_581 = arith.constant 48 : index
          %swap3A_582 = tpu.vector_load %arg7[%swap3A_580, %swap3A_581] {strides = array<i32>} : memref<512x64xf32, #tpu.memory_space<vmem>>, vector<1x16xf32>,
          %swap3A_583 = vector.shape_cast %swap3A_582 : vector<1x16xf32> to vector<16xf32>
          %swap3A_584 = vector.shape_cast %get3A_579 : vector<16xf32> to vector<1x16xf32>
          tpu.vector_store %arg7[%swap3A_580, %swap3A_581], %swap3A_584 {add = true, strides = array<i32>} : memref<512x64xf32, #tpu.memory_space<vmem>>, vector<1x16xf32>,
          %slice3A_585 = vector.extract_strided_slice %get3A_33 {offsets = [12], sizes = [1], strides = [1]} : vector<16xi32> to vector<1xi32>
          %squeeze3A_586 = vector.extract %slice3A_585[0] : i32 from vector<1xi32>
          %add3A_587 = arith.constant 12 : i32
          %add3A_588 = arith.addi %mul3A_30, %add3A_587 : i32
          %get3A_589 = arith.index_cast %squeeze3A_586 : i32 to index
          %get3A_590 = arith.constant 0 : index
          %get3A_591 = tpu.vector_load %arg8[%get3A_589, %get3A_590] {strides = array<i32>} : memref<16x64xf32, #tpu.memory_space<vmem>>, vector<1x16xf32>,
          %get3A_592 = vector.shape_cast %get3A_591 : vector<1x16xf32> to vector<16xf32>
          %swap3A_593 = arith.index_cast %add3A_588 : i32 to index
          %swap3A_594 = arith.constant 0 : index
          %swap3A_595 = tpu.vector_load %arg7[%swap3A_593, %swap3A_594] {strides = array<i32>} : memref<512x64xf32, #tpu.memory_space<vmem>>, vector<1x16xf32>,
          %swap3A_596 = vector.shape_cast %swap3A_595 : vector<1x16xf32> to vector<16xf32>
          %swap3A_597 = vector.shape_cast %get3A_592 : vector<16xf32> to vector<1x16xf32>
          tpu.vector_store %arg7[%swap3A_593, %swap3A_594], %swap3A_597 {add = true, strides = array<i32>} : memref<512x64xf32, #tpu.memory_space<vmem>>, vector<1x16xf32>,
          %add3A_598 = arith.constant 12 : i32
          %add3A_599 = arith.addi %mul3A_30, %add3A_598 : i32
          %get3A_600 = arith.index_cast %squeeze3A_586 : i32 to index
          %get3A_601 = arith.constant 16 : index
          %get3A_602 = tpu.vector_load %arg8[%get3A_600, %get3A_601] {strides = array<i32>} : memref<16x64xf32, #tpu.memory_space<vmem>>, vector<1x16xf32>,
          %get3A_603 = vector.shape_cast %get3A_602 : vector<1x16xf32> to vector<16xf32>
          %swap3A_604 = arith.index_cast %add3A_599 : i32 to index
          %swap3A_605 = arith.constant 16 : index
          %swap3A_606 = tpu.vector_load %arg7[%swap3A_604, %swap3A_605] {strides = array<i32>} : memref<512x64xf32, #tpu.memory_space<vmem>>, vector<1x16xf32>,
          %swap3A_607 = vector.shape_cast %swap3A_606 : vector<1x16xf32> to vector<16xf32>
          %swap3A_608 = vector.shape_cast %get3A_603 : vector<16xf32> to vector<1x16xf32>
          tpu.vector_store %arg7[%swap3A_604, %swap3A_605], %swap3A_608 {add = true, strides = array<i32>} : memref<512x64xf32, #tpu.memory_space<vmem>>, vector<1x16xf32>,
          %add3A_609 = arith.constant 12 : i32
          %add3A_610 = arith.addi %mul3A_30, %add3A_609 : i32
          %get3A_611 = arith.index_cast %squeeze3A_586 : i32 to index
          %get3A_612 = arith.constant 32 : index
          %get3A_613 = tpu.vector_load %arg8[%get3A_611, %get3A_612] {strides = array<i32>} : memref<16x64xf32, #tpu.memory_space<vmem>>, vector<1x16xf32>,
          %get3A_614 = vector.shape_cast %get3A_613 : vector<1x16xf32> to vector<16xf32>
          %swap3A_615 = arith.index_cast %add3A_610 : i32 to index
          %swap3A_616 = arith.constant 32 : index
          %swap3A_617 = tpu.vector_load %arg7[%swap3A_615, %swap3A_616] {strides = array<i32>} : memref<512x64xf32, #tpu.memory_space<vmem>>, vector<1x16xf32>,
          %swap3A_618 = vector.shape_cast %swap3A_617 : vector<1x16xf32> to vector<16xf32>
          %swap3A_619 = vector.shape_cast %get3A_614 : vector<16xf32> to vector<1x16xf32>
          tpu.vector_store %arg7[%swap3A_615, %swap3A_616], %swap3A_619 {add = true, strides = array<i32>} : memref<512x64xf32, #tpu.memory_space<vmem>>, vector<1x16xf32>,
          %add3A_620 = arith.constant 12 : i32
          %add3A_621 = arith.addi %mul3A_30, %add3A_620 : i32
          %get3A_622 = arith.index_cast %squeeze3A_586 : i32 to index
          %get3A_623 = arith.constant 48 : index
          %get3A_624 = tpu.vector_load %arg8[%get3A_622, %get3A_623] {strides = array<i32>} : memref<16x64xf32, #tpu.memory_space<vmem>>, vector<1x16xf32>,
          %get3A_625 = vector.shape_cast %get3A_624 : vector<1x16xf32> to vector<16xf32>
          %swap3A_626 = arith.index_cast %add3A_621 : i32 to index
          %swap3A_627 = arith.constant 48 : index
          %swap3A_628 = tpu.vector_load %arg7[%swap3A_626, %swap3A_627] {strides = array<i32>} : memref<512x64xf32, #tpu.memory_space<vmem>>, vector<1x16xf32>,
          %swap3A_629 = vector.shape_cast %swap3A_628 : vector<1x16xf32> to vector<16xf32>
          %swap3A_630 = vector.shape_cast %get3A_625 : vector<16xf32> to vector<1x16xf32>
          tpu.vector_store %arg7[%swap3A_626, %swap3A_627], %swap3A_630 {add = true, strides = array<i32>} : memref<512x64xf32, #tpu.memory_space<vmem>>, vector<1x16xf32>,
          %slice3A_631 = vector.extract_strided_slice %get3A_33 {offsets = [13], sizes = [1], strides = [1]} : vector<16xi32> to vector<1xi32>
          %squeeze3A_632 = vector.extract %slice3A_631[0] : i32 from vector<1xi32>
          %add3A_633 = arith.constant 13 : i32
          %add3A_634 = arith.addi %mul3A_30, %add3A_633 : i32
          %get3A_635 = arith.index_cast %squeeze3A_632 : i32 to index
          %get3A_636 = arith.constant 0 : index
          %get3A_637 = tpu.vector_load %arg8[%get3A_635, %get3A_636] {strides = array<i32>} : memref<16x64xf32, #tpu.memory_space<vmem>>, vector<1x16xf32>,
          %get3A_638 = vector.shape_cast %get3A_637 : vector<1x16xf32> to vector<16xf32>
          %swap3A_639 = arith.index_cast %add3A_634 : i32 to index
          %swap3A_640 = arith.constant 0 : index
          %swap3A_641 = tpu.vector_load %arg7[%swap3A_639, %swap3A_640] {strides = array<i32>} : memref<512x64xf32, #tpu.memory_space<vmem>>, vector<1x16xf32>,
          %swap3A_642 = vector.shape_cast %swap3A_641 : vector<1x16xf32> to vector<16xf32>
          %swap3A_643 = vector.shape_cast %get3A_638 : vector<16xf32> to vector<1x16xf32>
          tpu.vector_store %arg7[%swap3A_639, %swap3A_640], %swap3A_643 {add = true, strides = array<i32>} : memref<512x64xf32, #tpu.memory_space<vmem>>, vector<1x16xf32>,
          %add3A_644 = arith.constant 13 : i32
          %add3A_645 = arith.addi %mul3A_30, %add3A_644 : i32
          %get3A_646 = arith.index_cast %squeeze3A_632 : i32 to index
          %get3A_647 = arith.constant 16 : index
          %get3A_648 = tpu.vector_load %arg8[%get3A_646, %get3A_647] {strides = array<i32>} : memref<16x64xf32, #tpu.memory_space<vmem>>, vector<1x16xf32>,
          %get3A_649 = vector.shape_cast %get3A_648 : vector<1x16xf32> to vector<16xf32>
          %swap3A_650 = arith.index_cast %add3A_645 : i32 to index
          %swap3A_651 = arith.constant 16 : index
          %swap3A_652 = tpu.vector_load %arg7[%swap3A_650, %swap3A_651] {strides = array<i32>} : memref<512x64xf32, #tpu.memory_space<vmem>>, vector<1x16xf32>,
          %swap3A_653 = vector.shape_cast %swap3A_652 : vector<1x16xf32> to vector<16xf32>
          %swap3A_654 = vector.shape_cast %get3A_649 : vector<16xf32> to vector<1x16xf32>
          tpu.vector_store %arg7[%swap3A_650, %swap3A_651], %swap3A_654 {add = true, strides = array<i32>} : memref<512x64xf32, #tpu.memory_space<vmem>>, vector<1x16xf32>,
          %add3A_655 = arith.constant 13 : i32
          %add3A_656 = arith.addi %mul3A_30, %add3A_655 : i32
          %get3A_657 = arith.index_cast %squeeze3A_632 : i32 to index
          %get3A_658 = arith.constant 32 : index
          %get3A_659 = tpu.vector_load %arg8[%get3A_657, %get3A_658] {strides = array<i32>} : memref<16x64xf32, #tpu.memory_space<vmem>>, vector<1x16xf32>,
          %get3A_660 = vector.shape_cast %get3A_659 : vector<1x16xf32> to vector<16xf32>
          %swap3A_661 = arith.index_cast %add3A_656 : i32 to index
          %swap3A_662 = arith.constant 32 : index
          %swap3A_663 = tpu.vector_load %arg7[%swap3A_661, %swap3A_662] {strides = array<i32>} : memref<512x64xf32, #tpu.memory_space<vmem>>, vector<1x16xf32>,
          %swap3A_664 = vector.shape_cast %swap3A_663 : vector<1x16xf32> to vector<16xf32>
          %swap3A_665 = vector.shape_cast %get3A_660 : vector<16xf32> to vector<1x16xf32>
          tpu.vector_store %arg7[%swap3A_661, %swap3A_662], %swap3A_665 {add = true, strides = array<i32>} : memref<512x64xf32, #tpu.memory_space<vmem>>, vector<1x16xf32>,
          %add3A_666 = arith.constant 13 : i32
          %add3A_667 = arith.addi %mul3A_30, %add3A_666 : i32
          %get3A_668 = arith.index_cast %squeeze3A_632 : i32 to index
          %get3A_669 = arith.constant 48 : index
          %get3A_670 = tpu.vector_load %arg8[%get3A_668, %get3A_669] {strides = array<i32>} : memref<16x64xf32, #tpu.memory_space<vmem>>, vector<1x16xf32>,
          %get3A_671 = vector.shape_cast %get3A_670 : vector<1x16xf32> to vector<16xf32>
          %swap3A_672 = arith.index_cast %add3A_667 : i32 to index
          %swap3A_673 = arith.constant 48 : index
          %swap3A_674 = tpu.vector_load %arg7[%swap3A_672, %swap3A_673] {strides = array<i32>} : memref<512x64xf32, #tpu.memory_space<vmem>>, vector<1x16xf32>,
          %swap3A_675 = vector.shape_cast %swap3A_674 : vector<1x16xf32> to vector<16xf32>
          %swap3A_676 = vector.shape_cast %get3A_671 : vector<16xf32> to vector<1x16xf32>
          tpu.vector_store %arg7[%swap3A_672, %swap3A_673], %swap3A_676 {add = true, strides = array<i32>} : memref<512x64xf32, #tpu.memory_space<vmem>>, vector<1x16xf32>,
          %slice3A_677 = vector.extract_strided_slice %get3A_33 {offsets = [14], sizes = [1], strides = [1]} : vector<16xi32> to vector<1xi32>
          %squeeze3A_678 = vector.extract %slice3A_677[0] : i32 from vector<1xi32>
          %add3A_679 = arith.constant 14 : i32
          %add3A_680 = arith.addi %mul3A_30, %add3A_679 : i32
          %get3A_681 = arith.index_cast %squeeze3A_678 : i32 to index
          %get3A_682 = arith.constant 0 : index
          %get3A_683 = tpu.vector_load %arg8[%get3A_681, %get3A_682] {strides = array<i32>} : memref<16x64xf32, #tpu.memory_space<vmem>>, vector<1x16xf32>,
          %get3A_684 = vector.shape_cast %get3A_683 : vector<1x16xf32> to vector<16xf32>
          %swap3A_685 = arith.index_cast %add3A_680 : i32 to index
          %swap3A_686 = arith.constant 0 : index
          %swap3A_687 = tpu.vector_load %arg7[%swap3A_685, %swap3A_686] {strides = array<i32>} : memref<512x64xf32, #tpu.memory_space<vmem>>, vector<1x16xf32>,
          %swap3A_688 = vector.shape_cast %swap3A_687 : vector<1x16xf32> to vector<16xf32>
          %swap3A_689 = vector.shape_cast %get3A_684 : vector<16xf32> to vector<1x16xf32>
          tpu.vector_store %arg7[%swap3A_685, %swap3A_686], %swap3A_689 {add = true, strides = array<i32>} : memref<512x64xf32, #tpu.memory_space<vmem>>, vector<1x16xf32>,
          %add3A_690 = arith.constant 14 : i32
          %add3A_691 = arith.addi %mul3A_30, %add3A_690 : i32
          %get3A_692 = arith.index_cast %squeeze3A_678 : i32 to index
          %get3A_693 = arith.constant 16 : index
          %get3A_694 = tpu.vector_load %arg8[%get3A_692, %get3A_693] {strides = array<i32>} : memref<16x64xf32, #tpu.memory_space<vmem>>, vector<1x16xf32>,
          %get3A_695 = vector.shape_cast %get3A_694 : vector<1x16xf32> to vector<16xf32>
          %swap3A_696 = arith.index_cast %add3A_691 : i32 to index
          %swap3A_697 = arith.constant 16 : index
          %swap3A_698 = tpu.vector_load %arg7[%swap3A_696, %swap3A_697] {strides = array<i32>} : memref<512x64xf32, #tpu.memory_space<vmem>>, vector<1x16xf32>,
          %swap3A_699 = vector.shape_cast %swap3A_698 : vector<1x16xf32> to vector<16xf32>
          %swap3A_700 = vector.shape_cast %get3A_695 : vector<16xf32> to vector<1x16xf32>
          tpu.vector_store %arg7[%swap3A_696, %swap3A_697], %swap3A_700 {add = true, strides = array<i32>} : memref<512x64xf32, #tpu.memory_space<vmem>>, vector<1x16xf32>,
          %add3A_701 = arith.constant 14 : i32
          %add3A_702 = arith.addi %mul3A_30, %add3A_701 : i32
          %get3A_703 = arith.index_cast %squeeze3A_678 : i32 to index
          %get3A_704 = arith.constant 32 : index
          %get3A_705 = tpu.vector_load %arg8[%get3A_703, %get3A_704] {strides = array<i32>} : memref<16x64xf32, #tpu.memory_space<vmem>>, vector<1x16xf32>,
          %get3A_706 = vector.shape_cast %get3A_705 : vector<1x16xf32> to vector<16xf32>
          %swap3A_707 = arith.index_cast %add3A_702 : i32 to index
          %swap3A_708 = arith.constant 32 : index
          %swap3A_709 = tpu.vector_load %arg7[%swap3A_707, %swap3A_708] {strides = array<i32>} : memref<512x64xf32, #tpu.memory_space<vmem>>, vector<1x16xf32>,
          %swap3A_710 = vector.shape_cast %swap3A_709 : vector<1x16xf32> to vector<16xf32>
          %swap3A_711 = vector.shape_cast %get3A_706 : vector<16xf32> to vector<1x16xf32>
          tpu.vector_store %arg7[%swap3A_707, %swap3A_708], %swap3A_711 {add = true, strides = array<i32>} : memref<512x64xf32, #tpu.memory_space<vmem>>, vector<1x16xf32>,
          %add3A_712 = arith.constant 14 : i32
          %add3A_713 = arith.addi %mul3A_30, %add3A_712 : i32
          %get3A_714 = arith.index_cast %squeeze3A_678 : i32 to index
          %get3A_715 = arith.constant 48 : index
          %get3A_716 = tpu.vector_load %arg8[%get3A_714, %get3A_715] {strides = array<i32>} : memref<16x64xf32, #tpu.memory_space<vmem>>, vector<1x16xf32>,
          %get3A_717 = vector.shape_cast %get3A_716 : vector<1x16xf32> to vector<16xf32>
          %swap3A_718 = arith.index_cast %add3A_713 : i32 to index
          %swap3A_719 = arith.constant 48 : index
          %swap3A_720 = tpu.vector_load %arg7[%swap3A_718, %swap3A_719] {strides = array<i32>} : memref<512x64xf32, #tpu.memory_space<vmem>>, vector<1x16xf32>,
          %swap3A_721 = vector.shape_cast %swap3A_720 : vector<1x16xf32> to vector<16xf32>
          %swap3A_722 = vector.shape_cast %get3A_717 : vector<16xf32> to vector<1x16xf32>
          tpu.vector_store %arg7[%swap3A_718, %swap3A_719], %swap3A_722 {add = true, strides = array<i32>} : memref<512x64xf32, #tpu.memory_space<vmem>>, vector<1x16xf32>,
          %slice3A_723 = vector.extract_strided_slice %get3A_33 {offsets = [15], sizes = [1], strides = [1]} : vector<16xi32> to vector<1xi32>
          %squeeze3A_724 = vector.extract %slice3A_723[0] : i32 from vector<1xi32>
          %add3A_725 = arith.constant 15 : i32
          %add3A_726 = arith.addi %mul3A_30, %add3A_725 : i32
          %get3A_727 = arith.index_cast %squeeze3A_724 : i32 to index
          %get3A_728 = arith.constant 0 : index
          %get3A_729 = tpu.vector_load %arg8[%get3A_727, %get3A_728] {strides = array<i32>} : memref<16x64xf32, #tpu.memory_space<vmem>>, vector<1x16xf32>,
          %get3A_730 = vector.shape_cast %get3A_729 : vector<1x16xf32> to vector<16xf32>
          %swap3A_731 = arith.index_cast %add3A_726 : i32 to index
          %swap3A_732 = arith.constant 0 : index
          %swap3A_733 = tpu.vector_load %arg7[%swap3A_731, %swap3A_732] {strides = array<i32>} : memref<512x64xf32, #tpu.memory_space<vmem>>, vector<1x16xf32>,
          %swap3A_734 = vector.shape_cast %swap3A_733 : vector<1x16xf32> to vector<16xf32>
          %swap3A_735 = vector.shape_cast %get3A_730 : vector<16xf32> to vector<1x16xf32>
          tpu.vector_store %arg7[%swap3A_731, %swap3A_732], %swap3A_735 {add = true, strides = array<i32>} : memref<512x64xf32, #tpu.memory_space<vmem>>, vector<1x16xf32>,
          %add3A_736 = arith.constant 15 : i32
          %add3A_737 = arith.addi %mul3A_30, %add3A_736 : i32
          %get3A_738 = arith.index_cast %squeeze3A_724 : i32 to index
          %get3A_739 = arith.constant 16 : index
          %get3A_740 = tpu.vector_load %arg8[%get3A_738, %get3A_739] {strides = array<i32>} : memref<16x64xf32, #tpu.memory_space<vmem>>, vector<1x16xf32>,
          %get3A_741 = vector.shape_cast %get3A_740 : vector<1x16xf32> to vector<16xf32>
          %swap3A_742 = arith.index_cast %add3A_737 : i32 to index
          %swap3A_743 = arith.constant 16 : index
          %swap3A_744 = tpu.vector_load %arg7[%swap3A_742, %swap3A_743] {strides = array<i32>} : memref<512x64xf32, #tpu.memory_space<vmem>>, vector<1x16xf32>,
          %swap3A_745 = vector.shape_cast %swap3A_744 : vector<1x16xf32> to vector<16xf32>
          %swap3A_746 = vector.shape_cast %get3A_741 : vector<16xf32> to vector<1x16xf32>
          tpu.vector_store %arg7[%swap3A_742, %swap3A_743], %swap3A_746 {add = true, strides = array<i32>} : memref<512x64xf32, #tpu.memory_space<vmem>>, vector<1x16xf32>,
          %add3A_747 = arith.constant 15 : i32
          %add3A_748 = arith.addi %mul3A_30, %add3A_747 : i32
          %get3A_749 = arith.index_cast %squeeze3A_724 : i32 to index
          %get3A_750 = arith.constant 32 : index
          %get3A_751 = tpu.vector_load %arg8[%get3A_749, %get3A_750] {strides = array<i32>} : memref<16x64xf32, #tpu.memory_space<vmem>>, vector<1x16xf32>,
          %get3A_752 = vector.shape_cast %get3A_751 : vector<1x16xf32> to vector<16xf32>
          %swap3A_753 = arith.index_cast %add3A_748 : i32 to index
          %swap3A_754 = arith.constant 32 : index
          %swap3A_755 = tpu.vector_load %arg7[%swap3A_753, %swap3A_754] {strides = array<i32>} : memref<512x64xf32, #tpu.memory_space<vmem>>, vector<1x16xf32>,
          %swap3A_756 = vector.shape_cast %swap3A_755 : vector<1x16xf32> to vector<16xf32>
          %swap3A_757 = vector.shape_cast %get3A_752 : vector<16xf32> to vector<1x16xf32>
          tpu.vector_store %arg7[%swap3A_753, %swap3A_754], %swap3A_757 {add = true, strides = array<i32>} : memref<512x64xf32, #tpu.memory_space<vmem>>, vector<1x16xf32>,
          %add3A_758 = arith.constant 15 : i32
          %add3A_759 = arith.addi %mul3A_30, %add3A_758 : i32
          %get3A_760 = arith.index_cast %squeeze3A_724 : i32 to index
          %get3A_761 = arith.constant 48 : index
          %get3A_762 = tpu.vector_load %arg8[%get3A_760, %get3A_761] {strides = array<i32>} : memref<16x64xf32, #tpu.memory_space<vmem>>, vector<1x16xf32>,
          %get3A_763 = vector.shape_cast %get3A_762 : vector<1x16xf32> to vector<16xf32>
          %swap3A_764 = arith.index_cast %add3A_759 : i32 to index
          %swap3A_765 = arith.constant 48 : index
          %swap3A_766 = tpu.vector_load %arg7[%swap3A_764, %swap3A_765] {strides = array<i32>} : memref<512x64xf32, #tpu.memory_space<vmem>>, vector<1x16xf32>,
          %swap3A_767 = vector.shape_cast %swap3A_766 : vector<1x16xf32> to vector<16xf32>
          %swap3A_768 = vector.shape_cast %get3A_763 : vector<16xf32> to vector<1x16xf32>
          tpu.vector_store %arg7[%swap3A_764, %swap3A_765], %swap3A_768 {add = true, strides = array<i32>} : memref<512x64xf32, #tpu.memory_space<vmem>>, vector<1x16xf32>,
        }
        %scan3A_27 = arith.constant 4 : i32
      } else {
      }
      "tpu.region"() ({
        %run_scoped3A = tpu.sem_alloc : memref<!tpu.dma_semaphore, #tpu.memory_space<semaphore_mem>>
        %dma_start3A = arith.constant 0 : i32
        %dma_start3A_22 = arith.constant 0 : i32
        %dma_start3A_23 = tpu.memref_slice %arg7[%dma_start3A, %dma_start3A_22] : memref<512x64xf32, #tpu.memory_space<vmem>> -> memref<64x64xf32, #tpu.memory_space<vmem>>
        %dma_start3A_24 = arith.constant 999936 : i32
        %dma_start3A_25 = arith.constant 0 : i32
        %dma_start3A_26 = tpu.memref_slice %arg5[%dma_start3A_24, %dma_start3A_25] : memref<1000000x64xf32, #tpu.memory_space<hbm>> -> memref<64x64xf32, #tpu.memory_space<hbm>>
        %dma_start3A_27 = arith.constant 999936 : i32
        %dma_start3A_28 = arith.constant 0 : i32
        %dma_start3A_29 = tpu.memref_slice %arg5[%dma_start3A_27, %dma_start3A_28] : memref<1000000x64xf32, #tpu.memory_space<hbm>> -> memref<64x64xf32, #tpu.memory_space<hbm>>
        %dma_start3A_30 = arith.constant 0 : i32
        %dma_start3A_31 = arith.constant 0 : i32
        %dma_start3A_32 = tpu.memref_slice %arg7[%dma_start3A_30, %dma_start3A_31] : memref<512x64xf32, #tpu.memory_space<vmem>> -> memref<64x64xf32, #tpu.memory_space<vmem>>
        tpu.enqueue_dma source(%dma_start3A_32 : memref<64x64xf32, #tpu.memory_space<vmem>>) target(%dma_start3A_29 : memref<64x64xf32, #tpu.memory_space<hbm>>) target_semaphore(%run_scoped3A : memref<!tpu.dma_semaphore, #tpu.memory_space<semaphore_mem>>)
        %dma_wait3A = arith.constant 0 : i32
        %dma_wait3A_33 = arith.constant 0 : i32
        %dma_wait3A_34 = tpu.memref_slice %arg7[%dma_wait3A, %dma_wait3A_33] : memref<512x64xf32, #tpu.memory_space<vmem>> -> memref<64x64xf32, #tpu.memory_space<vmem>>
        %dma_wait3A_35 = arith.constant 999936 : i32
        %dma_wait3A_36 = arith.constant 0 : i32
        %dma_wait3A_37 = tpu.memref_slice %arg5[%dma_wait3A_35, %dma_wait3A_36] : memref<1000000x64xf32, #tpu.memory_space<hbm>> -> memref<64x64xf32, #tpu.memory_space<hbm>>
        %dma_wait3A_38 = arith.constant 999936 : i32
        %dma_wait3A_39 = arith.constant 0 : i32
        %dma_wait3A_40 = tpu.memref_slice %arg5[%dma_wait3A_38, %dma_wait3A_39] : memref<1000000x64xf32, #tpu.memory_space<hbm>> -> memref<64x64xf32, #tpu.memory_space<hbm>>
        %dma_wait3A_41 = arith.constant 0 : i32
        %dma_wait3A_42 = arith.constant 0 : i32
        %dma_wait3A_43 = tpu.memref_slice %arg7[%dma_wait3A_41, %dma_wait3A_42] : memref<512x64xf32, #tpu.memory_space<vmem>> -> memref<64x64xf32, #tpu.memory_space<vmem>>
        tpu.wait_dma2 semaphore(%run_scoped3A : memref<!tpu.dma_semaphore, #tpu.memory_space<semaphore_mem>>) src(%dma_wait3A_43 : memref<64x64xf32, #tpu.memory_space<vmem>>) dst(%dma_wait3A_40 : memref<64x64xf32, #tpu.memory_space<hbm>>)
        tpu.yield
      }) : () -> ()
    } else {
    }
    return
  }
}

</mosaic_0001>

<sc_bundles>
// kernel: kernel.3.cloned.1.call-start
scs
__scs_entry_jumppad:
0x0: {  	(pc) =	sbr.rel $0x88, $3  }
0x1: {  	(tag) =	ssettag $0x0;
	lr =	simm.s32 $0x1  }
0x2: {  	[smem:$0x3F9E] =	sst lr;
	_ =	strace $0xD0000000  }
0x3: {  	_ = 	snop  }
0x4: {  	_ = 	snop  }
0x5: {  	_ = 	snop  }
0x6: {  	_ = 	snop  }
0x7: {  	_ = 	snop  }
__scs_overlays_trampoline_lowered:
0x8: {  	[smem:$0x3FAD] =	sst s0  }
0x9: {  	[smem:$0x3FAE] =	sst s1  }
0xa: {  	[smem:$0x3FAF] =	sst s2  }
0xb: {  	[smem:$0x3FB0] =	sst s3  }
0xc: {  	[smem:$0x3FB1] =	sst s4  }
0xd: {  	[smem:$0x3FB2] =	sst s5  }
0xe: {  	[smem:$0x3FB3] =	sst s6  }
0xf: {  	[smem:$0x3FB4] =	sst s7  }
0x10: {  	[smem:$0x3FB5] =	sst s8  }
0x11: {  	[smem:$0x3FB6] =	sst s9;
	s0 =	simm.s32 @!p0 $0x0  }
0x12: {  	s1 =	sld [smem:$0x3F9C];
	s0 =	simm.s32 @p0 $0x1  }
0x13: {  	[smem:$0x3FB7] =	sst s0;
	s0 =	simm.s32 @!p1 $0x0  }
0x14: {  	s2 =	sld [smem:$0x3F9B];
	s0 =	simm.s32 @p1 $0x1  }
0x15: {  	[smem:$0x3FB8] =	sst s0;
	s0 =	simm.s32 @!p2 $0x0  }
0x16: {  	s3 =	sld [smem:$0x3FDB];
	s0 =	simm.s32 @p2 $0x1  }
0x17: {  	s4 =	simm.s32 $0x1BF5;
	[smem:$0x3FBA] =	sst s0  }
0x18: {  	s0 =	sld [smem:$0x3F9D];
	_ =	swait.ge [sflag:s4], $0x0  }
0x19: {  	s7 =	sld [smem:$0x3F9E]  }
0x1a: {  	s8 =	sadd.s32 $0xFFFFE003, lr  }
0x1b: {  	s9 =	sadd.s32 $0xFFFFFEF7, lr;
	s5 =	simm.s32 $0xFFFFFFFF;
	p2 =	slt.u32 s8, $0xFFFFF086  }
0x1c: {  	p1 =	slt.u32 s9, $0xF7A;
	s5 =	simm.s32 @!p2 $0x0  }
0x1d: {  	s5 =	simm.s32 @p1 $0x1;
	p0 =	seq.s32 s7, s2  }
0x1e: {  	s7 =	smul.u32 @!p0 $0xF7A, s2;
	p2 =	seq.s32 @!p0 s5, $0x0  }
0x1f: {  	s9 =	smul.u32 $0xF7A, s1;
	s8 =	simm.s32 @!p0 $0x1BF5;
	p2 =	por !p2, p0  }
0x20: {  	[sflag:s8] =	ssyncset.s32 @!p0 $0xFFFFF086;
	s6 =	sadd.s32 @!p0 s3, s7;
	s7 =	simm.s32 @!p0 $0x108  }
0x21: {  	s3 =	sadd.s32 s3, s9;
	s6 =	sadd.s32 @!p0 $0x88, s6;
	s7 =	simm.s32 @p2 $0x1082  }
0x22: {  	[simem:s7], [sflag:s8] =	dma.local @!p0 [hbm:s6], $0xF7A  }
0x23: {  	s9 =	sor.u32 $0xD0000000, s2;
	s6 =	simm.s32 $0x108;
	_ =	swait.ge @!p0 [sflag:s8], $0x0  }
0x24: {  	s3 =	sadd.s32 $0x88, s3;
	s6 =	simm.s32 @!p1 $0x1082;
	[sflag:s4] =	ssyncset.s32 $0xFFFFF086  }
0x25: {  	[simem:s6], [sflag:s4] =	dma.local [hbm:s3], $0xF7A  }
0x26: {  	[smem:$0x3F9E] =	sst s1;
	(tag) =	ssettag s2;
	_ =	strace s9  }
0x27: {  	s1 =	sld [smem:$0x3FAE]  }
0x28: {  	s2 =	sld [smem:$0x3FAF]  }
0x29: {  	s4 =	sld [smem:$0x3FB1]  }
0x2a: {  	p0 =	seq.s32 s5, $0x0;
	s5 =	sld [smem:$0x3FB2]  }
0x2b: {  	s6 =	sld [smem:$0x3FB3]  }
0x2c: {  	s7 =	sld [smem:$0x3FB4]  }
0x2d: {  	s3 =	simm.s32 $0x108;
	s8 =	sld [smem:$0x3FB5]  }
0x2e: {  	s3 =	simm.s32 @!p0 $0x1082;
	s9 =	sld [smem:$0x3FB6]  }
0x2f: {  	lr =	sadd.s32 s0, s3;
	s0 =	sld [smem:$0x3FAD]  }
0x30: {  	s3 =	sld [smem:$0x3FB0]  }
0x31: {  	[smem:$0x3FB9] =	sst s10  }
0x32: {  	s10 =	sld [smem:$0x3FB7];
	_ =	sdelay $0x3  }
0x33: {  	p0 =	seq.s32 s10, $0x1;
	s10 =	sld [smem:$0x3FB9];
	_ =	sdelay $0x3  }
0x34: {  	[smem:$0x3FB9] =	sst s10  }
0x35: {  	s10 =	sld [smem:$0x3FB8];
	_ =	sdelay $0x3  }
0x36: {  	p1 =	seq.s32 s10, $0x1;
	s10 =	sld [smem:$0x3FB9];
	_ =	sdelay $0x3  }
0x37: {  	[smem:$0x3FB9] =	sst s10  }
0x38: {  	s10 =	sld [smem:$0x3FBA]  }
0x39: {  	_ = 	snop;
	(pc) =	sbr.ind lr, $3  }
0x3a: {  	_ = 	snop  }
0x3b: {  	_ = 	snop  }
0x3c: {  	p2 =	seq.s32 s10, $0x1;
	s10 =	sld [smem:$0x3FB9]  }
0x3d: {  	_ =	shalt  }
0x3e: {  	_ =	shalt  }
0x3f: {  	_ =	shalt  }
0x40: {  	_ =	shalt  }
0x41: {  	_ =	shalt  }
0x42: {  	_ =	shalt  }
0x43: {  	_ =	shalt  }
0x44: {  	_ =	shalt  }
0x45: {  	_ =	shalt  }
0x46: {  	_ =	shalt  }
0x47: {  	_ =	shalt  }
0x48: {  	_ =	shalt  }
0x49: {  	_ =	shalt  }
0x4a: {  	_ =	shalt  }
0x4b: {  	_ =	shalt  }
0x4c: {  	_ =	shalt  }
0x4d: {  	_ =	shalt  }
0x4e: {  	_ =	shalt  }
0x4f: {  	_ =	shalt  }
0x50: {  	_ =	shalt  }
0x51: {  	_ =	shalt  }
0x52: {  	_ =	shalt  }
0x53: {  	_ =	shalt  }
0x54: {  	_ =	shalt  }
0x55: {  	_ =	shalt  }
0x56: {  	_ =	shalt  }
0x57: {  	_ =	shalt  }
0x58: {  	_ =	shalt  }
0x59: {  	_ =	shalt  }
0x5a: {  	_ =	shalt  }
0x5b: {  	_ =	shalt  }
0x5c: {  	_ =	shalt  }
0x5d: {  	_ =	shalt  }
0x5e: {  	_ =	shalt  }
0x5f: {  	_ =	shalt  }
0x60: {  	_ =	shalt  }
0x61: {  	_ =	shalt  }
0x62: {  	_ =	shalt  }
0x63: {  	_ =	shalt  }
0x64: {  	_ =	shalt  }
0x65: {  	_ =	shalt  }
0x66: {  	_ =	shalt  }
0x67: {  	_ =	shalt  }
0x68: {  	_ =	shalt  }
0x69: {  	_ =	shalt  }
0x6a: {  	_ =	shalt  }
0x6b: {  	_ =	shalt  }
0x6c: {  	_ =	shalt  }
0x6d: {  	_ =	shalt  }
0x6e: {  	_ =	shalt  }
0x6f: {  	_ =	shalt  }
0x70: {  	_ =	shalt  }
0x71: {  	_ =	shalt  }
0x72: {  	_ =	shalt  }
0x73: {  	_ =	shalt  }
0x74: {  	_ =	shalt  }
0x75: {  	_ =	shalt  }
0x76: {  	_ =	shalt  }
0x77: {  	_ =	shalt  }
0x78: {  	_ =	shalt  }
0x79: {  	_ =	shalt  }
0x7a: {  	_ =	shalt  }
0x7b: {  	_ =	shalt  }
0x7c: {  	_ =	shalt  }
0x7d: {  	_ =	shalt  }
0x7e: {  	_ =	shalt  }
0x7f: {  	_ =	shalt  }
0x80: {  	_ =	shalt  }
0x81: {  	_ =	shalt  }
0x82: {  	_ =	shalt  }
0x83: {  	_ =	shalt  }
0x84: {  	_ =	shalt  }
0x85: {  	_ =	shalt  }
0x86: {  	_ =	shalt  }
0x87: {  	_ =	shalt  }
.Lfunc_end0:
.L_simem_size_0:
called_computation_lowered:
.L_overlay_start_0:
0x88: {  	s2 =	sld [smem:$0x3FD9]  }
0x89: {  	s3 =	sld [smem:$0x3FFE];
	_ =	sdelay $0x1  }
0x8a: {  	s1 =	srdreg.scid  }
0x8b: {  	s0 =	sand.u32 $0x1, s1  }
0x8c: {  	s17 =	sshll.u32 s0, $0xA;
	s2 =	sadd.s32 s3, s2  }
0x8d: {  	s2 =	sadd.s32 s2, s17  }
0x8e: {  	[smem:$0x3FC5] =	sst s2  }
0x8f: {  	_ = 	snop  }
0x90: {  	s2 =	sld [smem:$0x3FC8]  }
0x91: {  	s18 =	sld [smem:$0x3FC7];
	(tm) =	ssettm $0x1  }
0x92: {  	s4 =	sld [smem:$0x3FFB];
	_ =	sdelay $0x3  }
0x93: {  	_ =	strace s4  }
0x94: {  	s4 =	sld [smem:$0x3FFC];
	_ =	sdelay $0x3  }
0x95: {  	_ =	strace s4  }
0x96: {  	s4 =	sld [smem:$0x3FFD];
	_ =	sdelay $0x3  }
0x97: {  	_ =	strace s4  }
0x98: {  	_ =	strace $0x8FFFFFFF  }
0x99: {  	s19 =	sld [smem:$0x3FDB];
	_ =	sdelay $0x1  }
0x9a: {  	s5 =	simm.s32 $_scs_section_size  }
0x9b: {  	s6 =	simm.s32 $_size__tile_overlayer_lowered;
	s7 =	simm.s32 $_tile_overlayer_lowered  }
0x9c: {  	s22 =	simm.s32 $0x1BFF;
	s21 =	sshll.u32 s7, $0x1;
	s4 =	sadd.s32 s5, s19  }
0x9d: {  	s8 =	simm.s32 $0x0;
	s20 =	sshll.u32 s6, $0x1;
	s6 =	sadd.s32 s21, s4  }
0x9e: {  	[timem:s8], [sflag:s22] =	dma.local [hbm:s6], s20  }
0x9f: {  	_ =	swait.ge [sflag:s22], s20  }
0xa0: {  	s5 =	ssub.s32 $0x0, s20;
	[sflag:s22] =	ssyncset.done $0x0  }
0xa1: {  	[sflag:s22] =	ssyncadd.s32 s5;
	_ =	sdelay $0x1  }
0xa2: {  	s23 =	simm.s32 $0x1B8B  }
0xa3: {  	_ =	swait.ge [sflag:s23], $0x1  }
0xa4: {  	[sflag:s23] =	ssyncset.done $0x0  }
0xa5: {  	s25 =	simm.s32 $0x1B8E;
	s24 =	sld [smem:$0x3FFE];
	[sflag:s23] =	ssyncadd.s32 $0xFFFFFFFF  }
0xa6: {  	s26 =	simm.s32 $execute0_lowered;
	[smem:$0x3FD2] =	sst s25  }
0xa7: {  	s6 =	sshll.u32 s26, $0x1;
	_ =	strace $0x80000046;
	[dreg:$0x1] =	wrdreg $0xFFFFFFFF  }
0xa8: {  	s28 =	simm.s32 $_size_execute0_lowered;
	s4 =	sadd.s32 s4, s6;
	[dreg:$0x0] =	wrdreg $0x0  }
0xa9: {  	s6 =	sshll.u32 s28, $0x1;
	[dreg:$0x2] =	wrdreg s4  }
0xaa: {  	[dreg:$0x3] =	wrdreg s6  }
0xab: {  	[dreg:$0x4] =	wrdreg $0xC0  }
0xac: {  	_ =	task [dreg:s8], $0x5FFFF  }
0xad: {  	[dreg:$0x1] =	wrdreg $0xFFFFFFFF  }
0xae: {  	[dreg:$0x0] =	wrdreg $0x60  }
0xaf: {  	[dreg:$0x2] =	wrdreg s24  }
0xb0: {  	[dreg:$0x3] =	wrdreg s2  }
0xb1: {  	[dreg:$0x4] =	wrdreg s18  }
0xb2: {  	[dreg:$0x5] =	wrdreg $0x9  }
0xb3: {  	_ =	task.clear_ibuf [dreg:s8], $0x6FFFF;
	_ =	strace $0x90000046  }
0xb4: {  	s29 =	simm.s32 $0x9;
	_ =	strace $0x80000048  }
0xb5: {  	_ =	swait.ge [sflag:s29], $0x1  }
0xb6: {  	[sflag:s29] =	ssyncadd.s32 $0xFFFFFFFF  }
0xb7: {  	_ =	strace $0x90000048  }
0xb8: {  	_ =	sfence  }
0xb9: {  	s30 =	sld [smem:$0x0];
	_ =	sdelay $0x2  }
0xba: {  	s31 =	sshll.u32 s1, $0xD;
	s1 =	sshrl.u32 s1, $0x2  }
0xbb: {  	s3 =	sand.u32 $0x4000, s31;
	s1 =	sadd.s32 s1, s30  }
0xbc: {  	s0 =	sor.u32 s3, s0;
	s1 =	sshll.u32 s1, $0x11  }
0xbd: {  	s0 =	sor.u32 s1, s0  }
0xbe: {  	s0 =	sadd.s32 $0x8F2B, s0  }
0xbf: {  	[sflag:s0] =	ssyncadd.remote.s32 $0x1  }
0xc0: {  	_ =	sfence.sel $0xFFFF  }
0xc1: {  	[dreg:$0x0] =	wrdreg $0xFFFFFFFF;
	(pc) =	sbr.abs _section_cstart, $3  }
0xc2: {  	[dreg:$0x1] =	wrdreg $0xFFFFFFFF  }
0xc3: {  	_ =	task.clear_ibuf [dreg:s8], $0x2FFFF;
	_ =	strace $0x9FFFFFFF  }
0xc4: {  	(tm) =	ssettm $0x7FFFFFFF  }
0xc5: {  	_ =	shalt  }
tec
execute0_lowered:
.L_overlay_start_1:
0x0: {  	(tag) =	ssettag $0x1  }
0x1: {  	s10 =	rddreg [dreg:$0x0]  }
0x2: {  	s1 =	rddreg [dreg:$0x1]  }
0x3: {  	s2 =	rddreg [dreg:$0x2]  }
0x4: {  	s0 =	rddreg [dreg:$0x3]  }
0x5: {  	s3 =	simm.s32 $0x0;
	s4 =	srdreg.scid;
	s13 =	simm.s32 $0x1  }
0x6: {  	s14 =	simm.s32 $0x2;
	s15 =	simm.s32 $0x200;
	s16 =	simm.s32 $0x0  }
0x7: {  	[smem:$0x7FF] =	sst s3;
	s7 =	sand.u32 $0x1, s4;
	s5 =	sadd.s32 $0x400, s10  }
.Ltmp0:
0x8: {  	s4 =	stileid.u32;
	s8 =	ssub.s32 $0x2, s7;
	(pc) =	sbr.rel .LBB2_1-.Ltmp0, $4  }
0x9: {  	s6 =	sadd.s32 $0xF42800, s10;
	_ =	strace $0x80000047;
	s9 =	sshrl.u32 s8, $0x1  }
0xa: {  	s11 =	sshll.u32 s4, $0x1;
	s12 =	ssub.s32 s8, s9;
	s8 =	sadd.s32 $0x1E840, s2  }
0xb: {  	s7 =	sor.u32 s7, s11;
	s9 =	sadd.s32 $0xF42400, s10;
	s10 =	sadd.s32 $0x1E84800, s10  }
0xc: {  	p0 =	sne.s32 s7, $0x1F;
	s11 =	smax.u32 s12, $0x1;
	s12 =	simm.s32 $0x10200  }
.LBB2_16:
0xd: {  	[hbm4b:s10+s3] =	stream.linear.scatter [tilespmem:s15], [sflag:$0x1], $0x2000, $0x38;
	[tilespmem:$0x10A00] =	vst v63  }
0xe: {  	_ =	swait.ge [sflag:s13], $0x2000  }
0xf: {  	[sflag:s13] =	ssyncset.done $0x0  }
0x10: {  	[sflag:s13] =	ssyncadd.s32 $0xFFFFE000  }
.LBB2_17:
0x11: {  	s16 =	sadd.s32 $0x1, s16  }
0x12: {  	p1 =	sne.s32 s16, s11  }
.Ltmp1:
0x13: {  	_ = 	snop;
	(pc) =	sbr.rel @!p1 .LBB2_18-.Ltmp1, $1  }
0x14: {  	_ =	sdelay $0x3  }
.LBB2_1:
.Ltmp2:
0x15: {  	(pc) =	sbr.rel .LBB2_2-.Ltmp2, $4  }
0x16: {  	[tilespmem:s12], [sflag:$0x1] =	stream.linear.gather [hbm4b:s1+s3], $0x800, $0x38;
	[tilespmem:$0x10A00] =	vst v63  }
0x17: {  	_ =	swait.ge [sflag:s13], $0x800  }
0x18: {  	[sflag:s13] =	ssyncset.done $0x0  }
0x19: {  	s17 =	simm.s32 $0x0;
	[sflag:s13] =	ssyncadd.s32 $0xFFFFF800  }
.LBB2_8:
0x1a: {  	s18 =	sadd.s32 s6, s18  }
0x1b: {  	[hbm4b:s18+s3] =	stream.linear.scatter [tilespmem:s15], [sflag:$0x1], $0x10000, $0x38;
	[tilespmem:$0x10A00] =	vst v63  }
0x1c: {  	_ =	swait.ge [sflag:s13], $0x10000  }
0x1d: {  	[sflag:s13] =	ssyncset.done $0x0  }
0x1e: {  	[sflag:s13] =	ssyncadd.s32 $0xFFFF0000  }
.LBB2_9:
0x1f: {  	s17 =	sadd.s32 $0x1, s17  }
0x20: {  	p1 =	sne.s32 s17, $0x3E  }
.Ltmp3:
0x21: {  	_ = 	snop;
	(pc) =	sbr.rel @!p1 .LBB2_10-.Ltmp3, $1  }
0x22: {  	_ =	sdelay $0x3  }
.LBB2_2:
0x23: {  	s18 =	sshll.u32 s17, $0x5  }
0x24: {  	s18 =	sor.u32 s7, s18  }
0x25: {  	p1 =	sgt.u32 s18, $0x7A0  }
.Ltmp4:
0x26: {  	_ = 	snop;
	(pc) =	sbr.rel @p1 .LBB2_9-.Ltmp4, $1  }
0x27: {  	_ =	sdelay $0x3  }
0x28: {  	s19 =	sshll.u32 s18, $0x6  }
0x29: {  	s20 =	sadd.s32 s2, s19;
	s19 =	simm.s32 $0x0  }
0x2a: {  	[tilespmem:s19], [sflag:$0x2] =	stream.linear.gather [hbm4b:s20+s19], $0x200, $0x38;
	[tilespmem:$0x10A00] =	vst v63  }
0x2b: {  	_ =	swait.ge [sflag:s14], $0x200  }
0x2c: {  	s18 =	sshll.u32 s18, $0xD;
	[sflag:s14] =	ssyncset.done $0x0  }
0x2d: {  	s30 =	sadd.s32 s5, s18;
	[sflag:s14] =	ssyncadd.s32 $0xFFFFFE00  }
0x2e: {  	[tilespmem:s15], [sflag:$0x2] =	stream.linear.gather [hbm4b:s30+s19], $0x10000, $0x38;
	[tilespmem:$0x10A00] =	vst v63  }
0x2f: {  	_ =	swait.ge [sflag:s14], $0x10000  }
0x30: {  	[sflag:s14] =	ssyncset.done $0x0  }
0x31: {  	[sflag:s14] =	ssyncadd.s32 $0xFFFF0000  }
0x32: {  	v0 =	vld [tilespmem:$0x0]  }
0x33: {  	v1 =	vld [tilespmem:$0x1F0];
	_ =	sdelay $0x3  }
0x34: {  	(v2sf) =	vpush v0, $0x0  }
0x35: {  	(v2sf) =	vpush v1, $0xF;
	_ =	sdelay $0xd  }
0x36: {  	s21 =	spop (v2sf)  }
0x37: {  	s31 =	spop (v2sf)  }
0x38: {  	p1 =	sne.s32 s21, s31  }
.Ltmp5:
0x39: {  	_ = 	snop;
	(pc) =	sbr.rel @p1 .LBB2_7-.Ltmp5, $2  }
0x3a: {  	_ =	sdelay $0x2  }
0x3b: {  	s20 =	simm.s32 $0x0  }
0x3c: {  	s19 =	sshll.u32 s21, $0x9  }
0x3d: {  	s19 =	sshra.s32 s19, $0x2  }
0x3e: {  	v3 =	vld [tilespmem:s19+$0x10230]  }
0x3f: {  	v2 =	vld [tilespmem:s19+$0x10220]  }
0x40: {  	v0 =	vld [tilespmem:s19+$0x10200]  }
0x41: {  	v1 =	vld [tilespmem:s19+$0x10210]  }
0x42: {  	s20 =	simm.s32 $0x200;
	s19 =	simm.s32 $0x0  }
.LBB2_5:
0x43: {  	p1 =	seq.s32 s20, $0x3FE00;
	[tilespmem:s19+$0x230] =	vst.add.f32.msk $0xffff, v3;
	s21 =	smov.u32 s20;
	s20 =	sadd.s32 $0x200, s20  }
.Ltmp6:
0x44: {  	[tilespmem:s19+$0x220] =	vst.add.f32.msk $0xffff, v2;
	(pc) =	sbr.rel @!p1 .LBB2_5-.Ltmp6, $3  }
0x45: {  	[tilespmem:s19+$0x200] =	vst.add.f32.msk $0xffff, v0  }
0x46: {  	[tilespmem:s19+$0x210] =	vst.add.f32.msk $0xffff, v1;
	_ =	sdelay $0x1  }
0x47: {  	s19 =	sshra.s32 s21, $0x2  }
.Ltmp7:
0x48: {  	(pc) =	sbr.rel .LBB2_8-.Ltmp7, $4  }
0x49: {  	[tilespmem:s19+$0x230] =	vst.add.f32.msk $0xffff, v3  }
0x4a: {  	[tilespmem:s19+$0x220] =	vst.add.f32.msk $0xffff, v2  }
0x4b: {  	[tilespmem:s19+$0x200] =	vst.add.f32.msk $0xffff, v0  }
0x4c: {  	[tilespmem:s19+$0x210] =	vst.add.f32.msk $0xffff, v1  }
.LBB2_7:
0x4d: {  	v0 =	vld [tilespmem:s19+$0x0];
	_ =	sdelay $0x4  }
0x4e: {  	v0 =	vshll.u32 v0, $0x9  }
0x4f: {  	v0 =	vshra.s32 v0, $0x2  }
0x50: {  	(v2sf) =	vpush v0, $0x0;
	_ =	sdelay $0xe  }
0x51: {  	s22 =	spop (v2sf)  }
0x52: {  	v1 =	vld [tilespmem:s22+$0x10200];
	_ =	sdelay $0x3  }
0x53: {  	s21 =	sshra.s32 s20, $0x2  }
0x54: {  	[tilespmem:s21+$0x200] =	vst.add.f32.msk $0xffff, v1  }
0x55: {  	v1 =	vld [tilespmem:s22+$0x10210];
	_ =	sdelay $0x1  }
0x56: {  	(v2sf) =	vpush v0, $0x1;
	_ =	sdelay $0x2  }
0x57: {  	[tilespmem:s21+$0x210] =	vst.add.f32.msk $0xffff, v1  }
0x58: {  	v1 =	vld [tilespmem:s22+$0x10220];
	_ =	sdelay $0x4  }
0x59: {  	[tilespmem:s21+$0x220] =	vst.add.f32.msk $0xffff, v1  }
0x5a: {  	v1 =	vld [tilespmem:s22+$0x10230];
	_ =	sdelay $0x4  }
0x5b: {  	s24 =	spop (v2sf);
	[tilespmem:s21+$0x230] =	vst.add.f32.msk $0xffff, v1  }
0x5c: {  	v1 =	vld [tilespmem:s24+$0x10200];
	_ =	sdelay $0x4  }
0x5d: {  	[tilespmem:s21+$0x280] =	vst.add.f32.msk $0xffff, v1  }
0x5e: {  	v1 =	vld [tilespmem:s24+$0x10210];
	_ =	sdelay $0x1  }
0x5f: {  	(v2sf) =	vpush v0, $0x2;
	_ =	sdelay $0x2  }
0x60: {  	[tilespmem:s21+$0x290] =	vst.add.f32.msk $0xffff, v1  }
0x61: {  	v1 =	vld [tilespmem:s24+$0x10220];
	_ =	sdelay $0x4  }
0x62: {  	[tilespmem:s21+$0x2A0] =	vst.add.f32.msk $0xffff, v1  }
0x63: {  	v1 =	vld [tilespmem:s24+$0x10230];
	_ =	sdelay $0x4  }
0x64: {  	s25 =	spop (v2sf);
	[tilespmem:s21+$0x2B0] =	vst.add.f32.msk $0xffff, v1  }
0x65: {  	v1 =	vld [tilespmem:s25+$0x10200];
	_ =	sdelay $0x4  }
0x66: {  	[tilespmem:s21+$0x300] =	vst.add.f32.msk $0xffff, v1  }
0x67: {  	v1 =	vld [tilespmem:s25+$0x10210];
	_ =	sdelay $0x1  }
0x68: {  	(v2sf) =	vpush v0, $0x3;
	_ =	sdelay $0x2  }
0x69: {  	[tilespmem:s21+$0x310] =	vst.add.f32.msk $0xffff, v1  }
0x6a: {  	v1 =	vld [tilespmem:s25+$0x10220];
	_ =	sdelay $0x4  }
0x6b: {  	[tilespmem:s21+$0x320] =	vst.add.f32.msk $0xffff, v1  }
0x6c: {  	v1 =	vld [tilespmem:s25+$0x10230];
	_ =	sdelay $0x4  }
0x6d: {  	s26 =	spop (v2sf);
	[tilespmem:s21+$0x330] =	vst.add.f32.msk $0xffff, v1  }
0x6e: {  	v1 =	vld [tilespmem:s26+$0x10200];
	_ =	sdelay $0x4  }
0x6f: {  	[tilespmem:s21+$0x380] =	vst.add.f32.msk $0xffff, v1  }
0x70: {  	v1 =	vld [tilespmem:s26+$0x10210];
	_ =	sdelay $0x1  }
0x71: {  	(v2sf) =	vpush v0, $0x4;
	_ =	sdelay $0x2  }
0x72: {  	[tilespmem:s21+$0x390] =	vst.add.f32.msk $0xffff, v1  }
0x73: {  	v1 =	vld [tilespmem:s26+$0x10220];
	_ =	sdelay $0x4  }
0x74: {  	[tilespmem:s21+$0x3A0] =	vst.add.f32.msk $0xffff, v1  }
0x75: {  	v1 =	vld [tilespmem:s26+$0x10230];
	_ =	sdelay $0x4  }
0x76: {  	s28 =	spop (v2sf);
	[tilespmem:s21+$0x3B0] =	vst.add.f32.msk $0xffff, v1  }
0x77: {  	v1 =	vld [tilespmem:s28+$0x10200];
	_ =	sdelay $0x4  }
0x78: {  	[tilespmem:s21+$0x400] =	vst.add.f32.msk $0xffff, v1  }
0x79: {  	v1 =	vld [tilespmem:s28+$0x10210];
	_ =	sdelay $0x1  }
0x7a: {  	(v2sf) =	vpush v0, $0x5;
	_ =	sdelay $0x2  }
0x7b: {  	[tilespmem:s21+$0x410] =	vst.add.f32.msk $0xffff, v1  }
0x7c: {  	v1 =	vld [tilespmem:s28+$0x10220];
	_ =	sdelay $0x4  }
0x7d: {  	[tilespmem:s21+$0x420] =	vst.add.f32.msk $0xffff, v1  }
0x7e: {  	v1 =	vld [tilespmem:s28+$0x10230];
	_ =	sdelay $0x4  }
0x7f: {  	s29 =	spop (v2sf);
	[tilespmem:s21+$0x430] =	vst.add.f32.msk $0xffff, v1  }
0x80: {  	v1 =	vld [tilespmem:s29+$0x10200];
	_ =	sdelay $0x4  }
0x81: {  	[tilespmem:s21+$0x480] =	vst.add.f32.msk $0xffff, v1  }
0x82: {  	v1 =	vld [tilespmem:s29+$0x10210];
	_ =	sdelay $0x1  }
0x83: {  	(v2sf) =	vpush v0, $0x6;
	_ =	sdelay $0x2  }
0x84: {  	[tilespmem:s21+$0x490] =	vst.add.f32.msk $0xffff, v1  }
0x85: {  	v1 =	vld [tilespmem:s29+$0x10220];
	_ =	sdelay $0x4  }
0x86: {  	[tilespmem:s21+$0x4A0] =	vst.add.f32.msk $0xffff, v1  }
0x87: {  	v1 =	vld [tilespmem:s29+$0x10230];
	_ =	sdelay $0x4  }
0x88: {  	s30 =	spop (v2sf);
	[tilespmem:s21+$0x4B0] =	vst.add.f32.msk $0xffff, v1  }
0x89: {  	v1 =	vld [tilespmem:s30+$0x10200];
	_ =	sdelay $0x4  }
0x8a: {  	[tilespmem:s21+$0x500] =	vst.add.f32.msk $0xffff, v1  }
0x8b: {  	v1 =	vld [tilespmem:s30+$0x10210];
	_ =	sdelay $0x1  }
0x8c: {  	(v2sf) =	vpush v0, $0x7;
	_ =	sdelay $0x2  }
0x8d: {  	[tilespmem:s21+$0x510] =	vst.add.f32.msk $0xffff, v1  }
0x8e: {  	v1 =	vld [tilespmem:s30+$0x10220];
	_ =	sdelay $0x4  }
0x8f: {  	[tilespmem:s21+$0x520] =	vst.add.f32.msk $0xffff, v1  }
0x90: {  	v1 =	vld [tilespmem:s30+$0x10230];
	_ =	sdelay $0x4  }
0x91: {  	s31 =	spop (v2sf);
	[tilespmem:s21+$0x530] =	vst.add.f32.msk $0xffff, v1  }
0x92: {  	v1 =	vld [tilespmem:s31+$0x10200];
	_ =	sdelay $0x4  }
0x93: {  	[tilespmem:s21+$0x580] =	vst.add.f32.msk $0xffff, v1  }
0x94: {  	v1 =	vld [tilespmem:s31+$0x10210];
	_ =	sdelay $0x1  }
0x95: {  	(v2sf) =	vpush v0, $0x8;
	_ =	sdelay $0x2  }
0x96: {  	[tilespmem:s21+$0x590] =	vst.add.f32.msk $0xffff, v1  }
0x97: {  	v1 =	vld [tilespmem:s31+$0x10220];
	_ =	sdelay $0x4  }
0x98: {  	[tilespmem:s21+$0x5A0] =	vst.add.f32.msk $0xffff, v1  }
0x99: {  	v1 =	vld [tilespmem:s31+$0x10230];
	_ =	sdelay $0x4  }
0x9a: {  	s23 =	spop (v2sf);
	[tilespmem:s21+$0x5B0] =	vst.add.f32.msk $0xffff, v1  }
0x9b: {  	v1 =	vld [tilespmem:s23+$0x10200];
	_ =	sdelay $0x4  }
0x9c: {  	[tilespmem:s21+$0x600] =	vst.add.f32.msk $0xffff, v1  }
0x9d: {  	v1 =	vld [tilespmem:s23+$0x10210];
	_ =	sdelay $0x1  }
0x9e: {  	(v2sf) =	vpush v0, $0x9;
	_ =	sdelay $0x2  }
0x9f: {  	[tilespmem:s21+$0x610] =	vst.add.f32.msk $0xffff, v1  }
0xa0: {  	v1 =	vld [tilespmem:s23+$0x10220];
	_ =	sdelay $0x4  }
0xa1: {  	[tilespmem:s21+$0x620] =	vst.add.f32.msk $0xffff, v1  }
0xa2: {  	v1 =	vld [tilespmem:s23+$0x10230];
	_ =	sdelay $0x4  }
0xa3: {  	s24 =	spop (v2sf);
	[tilespmem:s21+$0x630] =	vst.add.f32.msk $0xffff, v1  }
0xa4: {  	v1 =	vld [tilespmem:s24+$0x10200];
	_ =	sdelay $0x4  }
0xa5: {  	[tilespmem:s21+$0x680] =	vst.add.f32.msk $0xffff, v1  }
0xa6: {  	v1 =	vld [tilespmem:s24+$0x10210];
	_ =	sdelay $0x1  }
0xa7: {  	(v2sf) =	vpush v0, $0xA;
	_ =	sdelay $0x2  }
0xa8: {  	[tilespmem:s21+$0x690] =	vst.add.f32.msk $0xffff, v1  }
0xa9: {  	v1 =	vld [tilespmem:s24+$0x10220];
	_ =	sdelay $0x4  }
0xaa: {  	[tilespmem:s21+$0x6A0] =	vst.add.f32.msk $0xffff, v1  }
0xab: {  	v1 =	vld [tilespmem:s24+$0x10230];
	_ =	sdelay $0x4  }
0xac: {  	s25 =	spop (v2sf);
	[tilespmem:s21+$0x6B0] =	vst.add.f32.msk $0xffff, v1  }
0xad: {  	v1 =	vld [tilespmem:s25+$0x10200];
	_ =	sdelay $0x4  }
0xae: {  	[tilespmem:s21+$0x700] =	vst.add.f32.msk $0xffff, v1  }
0xaf: {  	v1 =	vld [tilespmem:s25+$0x10210];
	_ =	sdelay $0x1  }
0xb0: {  	(v2sf) =	vpush v0, $0xB;
	_ =	sdelay $0x2  }
0xb1: {  	[tilespmem:s21+$0x710] =	vst.add.f32.msk $0xffff, v1  }
0xb2: {  	v1 =	vld [tilespmem:s25+$0x10220];
	_ =	sdelay $0x4  }
0xb3: {  	[tilespmem:s21+$0x720] =	vst.add.f32.msk $0xffff, v1  }
0xb4: {  	v1 =	vld [tilespmem:s25+$0x10230];
	_ =	sdelay $0x4  }
0xb5: {  	s26 =	spop (v2sf);
	[tilespmem:s21+$0x730] =	vst.add.f32.msk $0xffff, v1  }
0xb6: {  	v1 =	vld [tilespmem:s26+$0x10200];
	_ =	sdelay $0x4  }
0xb7: {  	[tilespmem:s21+$0x780] =	vst.add.f32.msk $0xffff, v1  }
0xb8: {  	v1 =	vld [tilespmem:s26+$0x10210];
	_ =	sdelay $0x1  }
0xb9: {  	(v2sf) =	vpush v0, $0xC;
	_ =	sdelay $0x2  }
0xba: {  	[tilespmem:s21+$0x790] =	vst.add.f32.msk $0xffff, v1  }
0xbb: {  	v1 =	vld [tilespmem:s26+$0x10220];
	_ =	sdelay $0x4  }
0xbc: {  	[tilespmem:s21+$0x7A0] =	vst.add.f32.msk $0xffff, v1  }
0xbd: {  	v1 =	vld [tilespmem:s26+$0x10230];
	_ =	sdelay $0x4  }
0xbe: {  	s28 =	spop (v2sf);
	[tilespmem:s21+$0x7B0] =	vst.add.f32.msk $0xffff, v1  }
0xbf: {  	v1 =	vld [tilespmem:s28+$0x10200];
	_ =	sdelay $0x4  }
0xc0: {  	[tilespmem:s21+$0x800] =	vst.add.f32.msk $0xffff, v1  }
0xc1: {  	v1 =	vld [tilespmem:s28+$0x10210];
	_ =	sdelay $0x1  }
0xc2: {  	(v2sf) =	vpush v0, $0xD;
	_ =	sdelay $0x2  }
0xc3: {  	[tilespmem:s21+$0x810] =	vst.add.f32.msk $0xffff, v1  }
0xc4: {  	v1 =	vld [tilespmem:s28+$0x10220];
	_ =	sdelay $0x4  }
0xc5: {  	[tilespmem:s21+$0x820] =	vst.add.f32.msk $0xffff, v1  }
0xc6: {  	v1 =	vld [tilespmem:s28+$0x10230];
	_ =	sdelay $0x4  }
0xc7: {  	s29 =	spop (v2sf);
	[tilespmem:s21+$0x830] =	vst.add.f32.msk $0xffff, v1  }
0xc8: {  	v1 =	vld [tilespmem:s29+$0x10200];
	_ =	sdelay $0x4  }
0xc9: {  	[tilespmem:s21+$0x880] =	vst.add.f32.msk $0xffff, v1  }
0xca: {  	v1 =	vld [tilespmem:s29+$0x10210];
	_ =	sdelay $0x1  }
0xcb: {  	(v2sf) =	vpush v0, $0xE;
	_ =	sdelay $0x2  }
0xcc: {  	[tilespmem:s21+$0x890] =	vst.add.f32.msk $0xffff, v1  }
0xcd: {  	v1 =	vld [tilespmem:s29+$0x10220];
	_ =	sdelay $0x4  }
0xce: {  	[tilespmem:s21+$0x8A0] =	vst.add.f32.msk $0xffff, v1  }
0xcf: {  	v1 =	vld [tilespmem:s29+$0x10230];
	_ =	sdelay $0x4  }
0xd0: {  	s30 =	spop (v2sf);
	[tilespmem:s21+$0x8B0] =	vst.add.f32.msk $0xffff, v1  }
0xd1: {  	v1 =	vld [tilespmem:s30+$0x10200];
	_ =	sdelay $0x4  }
0xd2: {  	[tilespmem:s21+$0x900] =	vst.add.f32.msk $0xffff, v1  }
0xd3: {  	v1 =	vld [tilespmem:s30+$0x10210];
	_ =	sdelay $0x1  }
0xd4: {  	(v2sf) =	vpush v0, $0xF;
	_ =	sdelay $0x2  }
0xd5: {  	[tilespmem:s21+$0x910] =	vst.add.f32.msk $0xffff, v1  }
0xd6: {  	v63 =	vld [tilespmem:s30+$0x10220];
	_ =	sdelay $0x4  }
0xd7: {  	[tilespmem:s21+$0x920] =	vst.add.f32.msk $0xffff, v63  }
0xd8: {  	v0 =	vld [tilespmem:s30+$0x10230];
	_ =	sdelay $0x4  }
0xd9: {  	s31 =	spop (v2sf);
	[tilespmem:s21+$0x930] =	vst.add.f32.msk $0xffff, v0  }
0xda: {  	v0 =	vld [tilespmem:s31+$0x10200];
	_ =	sdelay $0x4  }
0xdb: {  	[tilespmem:s21+$0x980] =	vst.add.f32.msk $0xffff, v0  }
0xdc: {  	v0 =	vld [tilespmem:s31+$0x10210];
	_ =	sdelay $0x4  }
0xdd: {  	[tilespmem:s21+$0x990] =	vst.add.f32.msk $0xffff, v0  }
0xde: {  	v0 =	vld [tilespmem:s31+$0x10220];
	_ =	sdelay $0x4  }
0xdf: {  	[tilespmem:s21+$0x9A0] =	vst.add.f32.msk $0xffff, v0  }
0xe0: {  	p1 =	sne.s32 s20, $0x3E000;
	v0 =	vld [tilespmem:s31+$0x10230]  }
.Ltmp8:
0xe1: {  	_ = 	snop;
	(pc) =	sbr.rel @p1 .LBB2_7-.Ltmp8, $2  }
0xe2: {  	_ =	sdelay $0x2  }
0xe3: {  	s19 =	sadd.s32 $0x10, s19;
	s20 =	sadd.s32 $0x2000, s20;
	[tilespmem:s21+$0x9B0] =	vst.add.f32.msk $0xffff, v0  }
.Ltmp9:
0xe4: {  	_ = 	snop;
	(pc) =	sbr.rel .LBB2_8-.Ltmp9, $1  }
0xe5: {  	_ =	sdelay $0x3  }
.LBB2_10:
.Ltmp10:
0xe6: {  	(pc) =	sbr.rel @p0 .LBB2_17-.Ltmp10, $1  }
0xe7: {  	_ =	sdelay $0x3  }
0xe8: {  	s17 =	simm.s32 $0x0  }
0xe9: {  	[tilespmem:s17], [sflag:$0x1] =	stream.linear.gather [hbm4b:s8+s17], $0x40, $0x38;
	[tilespmem:$0x10A00] =	vst v63  }
0xea: {  	_ =	swait.ge [sflag:s13], $0x40  }
0xeb: {  	[sflag:s13] =	ssyncset.done $0x0  }
0xec: {  	[sflag:s13] =	ssyncadd.s32 $0xFFFFFFC0  }
0xed: {  	[tilespmem:s15], [sflag:$0x1] =	stream.linear.gather [hbm4b:s9+s17], $0x2000, $0x38;
	[tilespmem:$0x10A00] =	vst v63  }
0xee: {  	_ =	swait.ge [sflag:s13], $0x2000  }
0xef: {  	[sflag:s13] =	ssyncset.done $0x0  }
0xf0: {  	[sflag:s13] =	ssyncadd.s32 $0xFFFFE000  }
0xf1: {  	v0 =	vld [tilespmem:$0x0]  }
0xf2: {  	v1 =	vld [tilespmem:$0x30];
	_ =	sdelay $0x3  }
0xf3: {  	(v2sf) =	vpush v0, $0x0  }
0xf4: {  	(v2sf) =	vpush v1, $0xF;
	_ =	sdelay $0xd  }
0xf5: {  	s19 =	spop (v2sf)  }
0xf6: {  	s18 =	spop (v2sf)  }
0xf7: {  	p1 =	sne.s32 s19, s18  }
.Ltmp11:
0xf8: {  	_ = 	snop;
	(pc) =	sbr.rel @p1 .LBB2_15-.Ltmp11, $2  }
0xf9: {  	_ =	sdelay $0x2  }
0xfa: {  	s18 =	simm.s32 $0x0  }
0xfb: {  	s17 =	sshll.u32 s19, $0x9  }
0xfc: {  	s17 =	sshra.s32 s17, $0x2  }
0xfd: {  	v3 =	vld [tilespmem:s17+$0x10230]  }
0xfe: {  	v2 =	vld [tilespmem:s17+$0x10220]  }
0xff: {  	v0 =	vld [tilespmem:s17+$0x10200]  }
0x100: {  	v1 =	vld [tilespmem:s17+$0x10210]  }
0x101: {  	s18 =	simm.s32 $0x200;
	s17 =	simm.s32 $0x0  }
.LBB2_13:
0x102: {  	p1 =	seq.s32 s18, $0x7E00;
	[tilespmem:s17+$0x230] =	vst.add.f32.msk $0xffff, v3;
	s19 =	smov.u32 s18;
	s18 =	sadd.s32 $0x200, s18  }
.Ltmp12:
0x103: {  	[tilespmem:s17+$0x220] =	vst.add.f32.msk $0xffff, v2;
	(pc) =	sbr.rel @!p1 .LBB2_13-.Ltmp12, $3  }
0x104: {  	[tilespmem:s17+$0x200] =	vst.add.f32.msk $0xffff, v0  }
0x105: {  	[tilespmem:s17+$0x210] =	vst.add.f32.msk $0xffff, v1;
	_ =	sdelay $0x1  }
0x106: {  	s17 =	sshra.s32 s19, $0x2  }
.Ltmp13:
0x107: {  	(pc) =	sbr.rel .LBB2_16-.Ltmp13, $4  }
0x108: {  	[tilespmem:s17+$0x230] =	vst.add.f32.msk $0xffff, v3  }
0x109: {  	[tilespmem:s17+$0x220] =	vst.add.f32.msk $0xffff, v2  }
0x10a: {  	[tilespmem:s17+$0x200] =	vst.add.f32.msk $0xffff, v0  }
0x10b: {  	[tilespmem:s17+$0x210] =	vst.add.f32.msk $0xffff, v1  }
.LBB2_15:
0x10c: {  	v0 =	vld [tilespmem:s17+$0x0];
	_ =	sdelay $0x4  }
0x10d: {  	v0 =	vshll.u32 v0, $0x9  }
0x10e: {  	v0 =	vshra.s32 v0, $0x2  }
0x10f: {  	(v2sf) =	vpush v0, $0x0;
	_ =	sdelay $0xe  }
0x110: {  	s20 =	spop (v2sf)  }
0x111: {  	v1 =	vld [tilespmem:s20+$0x10200];
	_ =	sdelay $0x3  }
0x112: {  	s19 =	sshra.s32 s18, $0x2  }
0x113: {  	[tilespmem:s19+$0x200] =	vst.add.f32.msk $0xffff, v1  }
0x114: {  	v1 =	vld [tilespmem:s20+$0x10210];
	_ =	sdelay $0x1  }
0x115: {  	(v2sf) =	vpush v0, $0x1;
	_ =	sdelay $0x2  }
0x116: {  	[tilespmem:s19+$0x210] =	vst.add.f32.msk $0xffff, v1  }
0x117: {  	v1 =	vld [tilespmem:s20+$0x10220];
	_ =	sdelay $0x4  }
0x118: {  	[tilespmem:s19+$0x220] =	vst.add.f32.msk $0xffff, v1  }
0x119: {  	v1 =	vld [tilespmem:s20+$0x10230];
	_ =	sdelay $0x4  }
0x11a: {  	s26 =	spop (v2sf);
	[tilespmem:s19+$0x230] =	vst.add.f32.msk $0xffff, v1  }
0x11b: {  	v1 =	vld [tilespmem:s26+$0x10200];
	_ =	sdelay $0x4  }
0x11c: {  	[tilespmem:s19+$0x280] =	vst.add.f32.msk $0xffff, v1  }
0x11d: {  	v1 =	vld [tilespmem:s26+$0x10210];
	_ =	sdelay $0x1  }
0x11e: {  	(v2sf) =	vpush v0, $0x2;
	_ =	sdelay $0x2  }
0x11f: {  	[tilespmem:s19+$0x290] =	vst.add.f32.msk $0xffff, v1  }
0x120: {  	v1 =	vld [tilespmem:s26+$0x10220];
	_ =	sdelay $0x4  }
0x121: {  	[tilespmem:s19+$0x2A0] =	vst.add.f32.msk $0xffff, v1  }
0x122: {  	v1 =	vld [tilespmem:s26+$0x10230];
	_ =	sdelay $0x4  }
0x123: {  	s28 =	spop (v2sf);
	[tilespmem:s19+$0x2B0] =	vst.add.f32.msk $0xffff, v1  }
0x124: {  	v1 =	vld [tilespmem:s28+$0x10200];
	_ =	sdelay $0x4  }
0x125: {  	[tilespmem:s19+$0x300] =	vst.add.f32.msk $0xffff, v1  }
0x126: {  	v1 =	vld [tilespmem:s28+$0x10210];
	_ =	sdelay $0x1  }
0x127: {  	(v2sf) =	vpush v0, $0x3;
	_ =	sdelay $0x2  }
0x128: {  	[tilespmem:s19+$0x310] =	vst.add.f32.msk $0xffff, v1  }
0x129: {  	v1 =	vld [tilespmem:s28+$0x10220];
	_ =	sdelay $0x4  }
0x12a: {  	[tilespmem:s19+$0x320] =	vst.add.f32.msk $0xffff, v1  }
0x12b: {  	v1 =	vld [tilespmem:s28+$0x10230];
	_ =	sdelay $0x4  }
0x12c: {  	s29 =	spop (v2sf);
	[tilespmem:s19+$0x330] =	vst.add.f32.msk $0xffff, v1  }
0x12d: {  	v1 =	vld [tilespmem:s29+$0x10200];
	_ =	sdelay $0x4  }
0x12e: {  	[tilespmem:s19+$0x380] =	vst.add.f32.msk $0xffff, v1  }
0x12f: {  	v1 =	vld [tilespmem:s29+$0x10210];
	_ =	sdelay $0x1  }
0x130: {  	(v2sf) =	vpush v0, $0x4;
	_ =	sdelay $0x2  }
0x131: {  	[tilespmem:s19+$0x390] =	vst.add.f32.msk $0xffff, v1  }
0x132: {  	v1 =	vld [tilespmem:s29+$0x10220];
	_ =	sdelay $0x4  }
0x133: {  	[tilespmem:s19+$0x3A0] =	vst.add.f32.msk $0xffff, v1  }
0x134: {  	v1 =	vld [tilespmem:s29+$0x10230];
	_ =	sdelay $0x4  }
0x135: {  	s30 =	spop (v2sf);
	[tilespmem:s19+$0x3B0] =	vst.add.f32.msk $0xffff, v1  }
0x136: {  	v1 =	vld [tilespmem:s30+$0x10200];
	_ =	sdelay $0x4  }
0x137: {  	[tilespmem:s19+$0x400] =	vst.add.f32.msk $0xffff, v1  }
0x138: {  	v1 =	vld [tilespmem:s30+$0x10210];
	_ =	sdelay $0x1  }
0x139: {  	(v2sf) =	vpush v0, $0x5;
	_ =	sdelay $0x2  }
0x13a: {  	[tilespmem:s19+$0x410] =	vst.add.f32.msk $0xffff, v1  }
0x13b: {  	v1 =	vld [tilespmem:s30+$0x10220];
	_ =	sdelay $0x4  }
0x13c: {  	[tilespmem:s19+$0x420] =	vst.add.f32.msk $0xffff, v1  }
0x13d: {  	v1 =	vld [tilespmem:s30+$0x10230];
	_ =	sdelay $0x4  }
0x13e: {  	s31 =	spop (v2sf);
	[tilespmem:s19+$0x430] =	vst.add.f32.msk $0xffff, v1  }
0x13f: {  	v1 =	vld [tilespmem:s31+$0x10200];
	_ =	sdelay $0x4  }
0x140: {  	[tilespmem:s19+$0x480] =	vst.add.f32.msk $0xffff, v1  }
0x141: {  	v1 =	vld [tilespmem:s31+$0x10210];
	_ =	sdelay $0x1  }
0x142: {  	(v2sf) =	vpush v0, $0x6;
	_ =	sdelay $0x2  }
0x143: {  	[tilespmem:s19+$0x490] =	vst.add.f32.msk $0xffff, v1  }
0x144: {  	v1 =	vld [tilespmem:s31+$0x10220];
	_ =	sdelay $0x4  }
0x145: {  	[tilespmem:s19+$0x4A0] =	vst.add.f32.msk $0xffff, v1  }
0x146: {  	v1 =	vld [tilespmem:s31+$0x10230];
	_ =	sdelay $0x4  }
0x147: {  	s21 =	spop (v2sf);
	[tilespmem:s19+$0x4B0] =	vst.add.f32.msk $0xffff, v1  }
0x148: {  	v1 =	vld [tilespmem:s21+$0x10200];
	_ =	sdelay $0x4  }
0x149: {  	[tilespmem:s19+$0x500] =	vst.add.f32.msk $0xffff, v1  }
0x14a: {  	v1 =	vld [tilespmem:s21+$0x10210];
	_ =	sdelay $0x1  }
0x14b: {  	(v2sf) =	vpush v0, $0x7;
	_ =	sdelay $0x2  }
0x14c: {  	[tilespmem:s19+$0x510] =	vst.add.f32.msk $0xffff, v1  }
0x14d: {  	v1 =	vld [tilespmem:s21+$0x10220];
	_ =	sdelay $0x4  }
0x14e: {  	[tilespmem:s19+$0x520] =	vst.add.f32.msk $0xffff, v1  }
0x14f: {  	v1 =	vld [tilespmem:s21+$0x10230];
	_ =	sdelay $0x4  }
0x150: {  	s22 =	spop (v2sf);
	[tilespmem:s19+$0x530] =	vst.add.f32.msk $0xffff, v1  }
0x151: {  	v1 =	vld [tilespmem:s22+$0x10200];
	_ =	sdelay $0x4  }
0x152: {  	[tilespmem:s19+$0x580] =	vst.add.f32.msk $0xffff, v1  }
0x153: {  	v1 =	vld [tilespmem:s22+$0x10210];
	_ =	sdelay $0x1  }
0x154: {  	(v2sf) =	vpush v0, $0x8;
	_ =	sdelay $0x2  }
0x155: {  	[tilespmem:s19+$0x590] =	vst.add.f32.msk $0xffff, v1  }
0x156: {  	v1 =	vld [tilespmem:s22+$0x10220];
	_ =	sdelay $0x4  }
0x157: {  	[tilespmem:s19+$0x5A0] =	vst.add.f32.msk $0xffff, v1  }
0x158: {  	v1 =	vld [tilespmem:s22+$0x10230];
	_ =	sdelay $0x4  }
0x159: {  	s23 =	spop (v2sf);
	[tilespmem:s19+$0x5B0] =	vst.add.f32.msk $0xffff, v1  }
0x15a: {  	v1 =	vld [tilespmem:s23+$0x10200];
	_ =	sdelay $0x4  }
0x15b: {  	[tilespmem:s19+$0x600] =	vst.add.f32.msk $0xffff, v1  }
0x15c: {  	v1 =	vld [tilespmem:s23+$0x10210];
	_ =	sdelay $0x1  }
0x15d: {  	(v2sf) =	vpush v0, $0x9;
	_ =	sdelay $0x2  }
0x15e: {  	[tilespmem:s19+$0x610] =	vst.add.f32.msk $0xffff, v1  }
0x15f: {  	v1 =	vld [tilespmem:s23+$0x10220];
	_ =	sdelay $0x4  }
0x160: {  	[tilespmem:s19+$0x620] =	vst.add.f32.msk $0xffff, v1  }
0x161: {  	v1 =	vld [tilespmem:s23+$0x10230];
	_ =	sdelay $0x4  }
0x162: {  	s24 =	spop (v2sf);
	[tilespmem:s19+$0x630] =	vst.add.f32.msk $0xffff, v1  }
0x163: {  	v1 =	vld [tilespmem:s24+$0x10200];
	_ =	sdelay $0x4  }
0x164: {  	[tilespmem:s19+$0x680] =	vst.add.f32.msk $0xffff, v1  }
0x165: {  	v1 =	vld [tilespmem:s24+$0x10210];
	_ =	sdelay $0x1  }
0x166: {  	(v2sf) =	vpush v0, $0xA;
	_ =	sdelay $0x2  }
0x167: {  	[tilespmem:s19+$0x690] =	vst.add.f32.msk $0xffff, v1  }
0x168: {  	v1 =	vld [tilespmem:s24+$0x10220];
	_ =	sdelay $0x4  }
0x169: {  	[tilespmem:s19+$0x6A0] =	vst.add.f32.msk $0xffff, v1  }
0x16a: {  	v1 =	vld [tilespmem:s24+$0x10230];
	_ =	sdelay $0x4  }
0x16b: {  	s25 =	spop (v2sf);
	[tilespmem:s19+$0x6B0] =	vst.add.f32.msk $0xffff, v1  }
0x16c: {  	v1 =	vld [tilespmem:s25+$0x10200];
	_ =	sdelay $0x4  }
0x16d: {  	[tilespmem:s19+$0x700] =	vst.add.f32.msk $0xffff, v1  }
0x16e: {  	v1 =	vld [tilespmem:s25+$0x10210];
	_ =	sdelay $0x1  }
0x16f: {  	(v2sf) =	vpush v0, $0xB;
	_ =	sdelay $0x2  }
0x170: {  	[tilespmem:s19+$0x710] =	vst.add.f32.msk $0xffff, v1  }
0x171: {  	v1 =	vld [tilespmem:s25+$0x10220];
	_ =	sdelay $0x4  }
0x172: {  	[tilespmem:s19+$0x720] =	vst.add.f32.msk $0xffff, v1  }
0x173: {  	v1 =	vld [tilespmem:s25+$0x10230];
	_ =	sdelay $0x4  }
0x174: {  	s26 =	spop (v2sf);
	[tilespmem:s19+$0x730] =	vst.add.f32.msk $0xffff, v1  }
0x175: {  	v1 =	vld [tilespmem:s26+$0x10200];
	_ =	sdelay $0x4  }
0x176: {  	[tilespmem:s19+$0x780] =	vst.add.f32.msk $0xffff, v1  }
0x177: {  	v1 =	vld [tilespmem:s26+$0x10210];
	_ =	sdelay $0x1  }
0x178: {  	(v2sf) =	vpush v0, $0xC;
	_ =	sdelay $0x2  }
0x179: {  	[tilespmem:s19+$0x790] =	vst.add.f32.msk $0xffff, v1  }
0x17a: {  	v1 =	vld [tilespmem:s26+$0x10220];
	_ =	sdelay $0x4  }
0x17b: {  	[tilespmem:s19+$0x7A0] =	vst.add.f32.msk $0xffff, v1  }
0x17c: {  	v1 =	vld [tilespmem:s26+$0x10230];
	_ =	sdelay $0x4  }
0x17d: {  	s28 =	spop (v2sf);
	[tilespmem:s19+$0x7B0] =	vst.add.f32.msk $0xffff, v1  }
0x17e: {  	v1 =	vld [tilespmem:s28+$0x10200];
	_ =	sdelay $0x4  }
0x17f: {  	[tilespmem:s19+$0x800] =	vst.add.f32.msk $0xffff, v1  }
0x180: {  	v1 =	vld [tilespmem:s28+$0x10210];
	_ =	sdelay $0x1  }
0x181: {  	(v2sf) =	vpush v0, $0xD;
	_ =	sdelay $0x2  }
0x182: {  	[tilespmem:s19+$0x810] =	vst.add.f32.msk $0xffff, v1  }
0x183: {  	v1 =	vld [tilespmem:s28+$0x10220];
	_ =	sdelay $0x4  }
0x184: {  	[tilespmem:s19+$0x820] =	vst.add.f32.msk $0xffff, v1  }
0x185: {  	v1 =	vld [tilespmem:s28+$0x10230];
	_ =	sdelay $0x4  }
0x186: {  	s29 =	spop (v2sf);
	[tilespmem:s19+$0x830] =	vst.add.f32.msk $0xffff, v1  }
0x187: {  	v1 =	vld [tilespmem:s29+$0x10200];
	_ =	sdelay $0x4  }
0x188: {  	[tilespmem:s19+$0x880] =	vst.add.f32.msk $0xffff, v1  }
0x189: {  	v1 =	vld [tilespmem:s29+$0x10210];
	_ =	sdelay $0x1  }
0x18a: {  	(v2sf) =	vpush v0, $0xE;
	_ =	sdelay $0x2  }
0x18b: {  	[tilespmem:s19+$0x890] =	vst.add.f32.msk $0xffff, v1  }
0x18c: {  	v1 =	vld [tilespmem:s29+$0x10220];
	_ =	sdelay $0x4  }
0x18d: {  	[tilespmem:s19+$0x8A0] =	vst.add.f32.msk $0xffff, v1  }
0x18e: {  	v1 =	vld [tilespmem:s29+$0x10230];
	_ =	sdelay $0x4  }
0x18f: {  	s30 =	spop (v2sf);
	[tilespmem:s19+$0x8B0] =	vst.add.f32.msk $0xffff, v1  }
0x190: {  	v1 =	vld [tilespmem:s30+$0x10200];
	_ =	sdelay $0x4  }
0x191: {  	[tilespmem:s19+$0x900] =	vst.add.f32.msk $0xffff, v1  }
0x192: {  	v1 =	vld [tilespmem:s30+$0x10210];
	_ =	sdelay $0x1  }
0x193: {  	(v2sf) =	vpush v0, $0xF;
	_ =	sdelay $0x2  }
0x194: {  	[tilespmem:s19+$0x910] =	vst.add.f32.msk $0xffff, v1  }
0x195: {  	v63 =	vld [tilespmem:s30+$0x10220];
	_ =	sdelay $0x4  }
0x196: {  	[tilespmem:s19+$0x920] =	vst.add.f32.msk $0xffff, v63  }
0x197: {  	v0 =	vld [tilespmem:s30+$0x10230];
	_ =	sdelay $0x4  }
0x198: {  	s31 =	spop (v2sf);
	[tilespmem:s19+$0x930] =	vst.add.f32.msk $0xffff, v0  }
0x199: {  	v0 =	vld [tilespmem:s31+$0x10200];
	_ =	sdelay $0x4  }
0x19a: {  	[tilespmem:s19+$0x980] =	vst.add.f32.msk $0xffff, v0  }
0x19b: {  	v0 =	vld [tilespmem:s31+$0x10210];
	_ =	sdelay $0x4  }
0x19c: {  	[tilespmem:s19+$0x990] =	vst.add.f32.msk $0xffff, v0  }
0x19d: {  	v0 =	vld [tilespmem:s31+$0x10220];
	_ =	sdelay $0x4  }
0x19e: {  	[tilespmem:s19+$0x9A0] =	vst.add.f32.msk $0xffff, v0  }
0x19f: {  	p1 =	sne.s32 s18, $0x6000;
	v0 =	vld [tilespmem:s31+$0x10230]  }
.Ltmp14:
0x1a0: {  	_ = 	snop;
	(pc) =	sbr.rel @p1 .LBB2_15-.Ltmp14, $2  }
0x1a1: {  	_ =	sdelay $0x2  }
0x1a2: {  	s17 =	sadd.s32 $0x10, s17;
	s18 =	sadd.s32 $0x2000, s18;
	[tilespmem:s19+$0x9B0] =	vst.add.f32.msk $0xffff, v0  }
.Ltmp15:
0x1a3: {  	_ = 	snop;
	(pc) =	sbr.rel .LBB2_16-.Ltmp15, $1  }
0x1a4: {  	_ =	sdelay $0x3  }
.LBB2_18:
0x1a5: {  	_ =	sfence.sel $0x180000  }
0x1a6: {  	[bflag:$0x0] =	sbarrier.arrive $0xFFFF  }
0x1a7: {  	p0 =	sne.s32 s4, $0x0;
	_ =	strace $0x90000047  }
0x1a8: {  	s0 =	sadd.s32 @!p0 $0x100000, s0;
	[bflag:$0x2] =	sbarrier.arrive $0xFFFF  }
0x1a9: {  	[sflag:s0] =	ssyncadd.tile.s32 @!p0 $0x1;
	_ =	shalt  }
.Lfunc_end2:
_tile_overlayer_lowered:
.L_overlay_start_2:
0x1aa: {  	(tag) =	ssettag $0x2  }
0x1ab: {  	s0 =	rddreg [dreg:$0x0];
	s2 =	stileid.u32  }
0x1ac: {  	s1 =	rddreg [dreg:$0x1];
	p0 =	sne.s32 s2, $0x0  }
0x1ad: {  	s3 =	rddreg [dreg:$0x2];
	[bflag:$0x3] =	sbarrier.arrive $0xFFFF;
	s2 =	simm.s32 @!p0 $0x1C01  }
0x1ae: {  	[timem:s3], [sflag:s2] =	dma.local @!p0 [hbm:s0], s1  }
0x1af: {  	s0 =	simm.s32 @!p0 $0x1  }
0x1b0: {  	_ =	swait.ge @!p0 [sflag:s0], s1  }
0x1b1: {  	s1 =	ssub.s32 @!p0 $0x0, s1;
	[sflag:s0] =	ssyncset.done @!p0 $0x0  }
0x1b2: {  	[sflag:s0] =	ssyncadd.s32 @!p0 s1  }
0x1b3: {  	[bflag:$0x3] =	sbarrier.arrive $0xFFFF  }
0x1b4: {  	_ =	shalt  }

</sc_bundles>
